<compile_context>
chip_gen: v7x
topology: tpu7x:2x2x1
jax: 0.10.2.dev20260603
libtpu: 0.0.44.dev20260713+nightly
codegen_flags: <defaults>
</compile_context>

<pallas_src>
import functools

import jax
import jax.numpy as jnp
import numpy as np
from jax import lax
from jax.experimental import pallas as pl
from jax.experimental.pallas import tpu as pltpu
from jax.experimental.pallas import tpu_sc as plsc

N_NODES = 10000
IN_F = 32
OUT_F = 32
N_HARM = 9
F = IN_F * N_HARM
FP = 384
N_RBF = 16
CUTOFF = 5.0

NC = 2
NS = 16
NW = NC * NS

E_PAD = 102400
B_PER_W = E_PAD // NW
GCH = 128

EB = 1024
NB = 1024

WN = 512
NWIN = 10240 // WN
CH2 = 1024
NCHUNK = E_PAD // CH2

_SH_C0 = 0.28209479177387814
_SH_C1 = 0.4886025119029199
_SH_C2 = 1.0925484305920792
_SH_C20 = 0.31539156525252005
_SH_C22 = 0.5462742152960396

_TM = np.zeros((N_HARM, FP), np.float32)
for _i in range(IN_F):
    for _h in range(N_HARM):
        _TM[_h, _i * N_HARM + _h] = 1.0
_RM = np.zeros((OUT_F, FP), np.float32)
for _o in range(OUT_F):
    for _h in range(N_HARM):
        _RM[_o, _o * N_HARM + _h] = 1.0


def _gather_body(x_hbm, src_hbm, out_hbm, idx_v, rows_v, sem):
    wid = lax.axis_index("s") * NC + lax.axis_index("c")
    base = wid * B_PER_W
    pltpu.sync_copy(src_hbm.at[wid], idx_v)

    def body(cc, carry):
        pltpu.async_copy(
            x_hbm.at[idx_v.at[pl.ds(cc * GCH, GCH)]], rows_v, sem
        ).wait()
        pltpu.sync_copy(rows_v, out_hbm.at[pl.ds(base + cc * GCH, GCH)])
        return carry

    lax.fori_loop(0, B_PER_W // GCH, body, 0)


_gather_call = functools.partial(
    pl.kernel,
    out_type=jax.ShapeDtypeStruct((E_PAD, FP), jnp.float32),
    mesh=plsc.VectorSubcoreMesh(
        core_axis_name="c", subcore_axis_name="s", num_cores=NC, num_subcores=NS
    ),
    scratch_types=[
        pltpu.VMEM((B_PER_W,), jnp.int32),
        pltpu.VMEM((GCH, FP), jnp.float32),
        pltpu.SemaphoreType.DMA,
    ],
)(_gather_body)


def _dense_body(ev_ref, xsrc_ref, w1t_ref, b1_ref, w2t_ref, b2_ref, w3pt_ref,
                b3p_ref, tm_ref, rm_ref, tm_f_ref, out_ref):
    ev = ev_ref[...]
    d2 = jnp.sum(ev * ev, axis=1, keepdims=True)
    dd = jnp.sqrt(d2)
    nv = ev / (dd + 1e-12)
    xn, yn, zn = nv[:, 0:1], nv[:, 1:2], nv[:, 2:3]
    sh = jnp.concatenate(
        [
            jnp.full_like(xn, _SH_C0),
            _SH_C1 * yn, _SH_C1 * zn, _SH_C1 * xn,
            _SH_C2 * xn * yn, _SH_C2 * yn * zn,
            _SH_C20 * (3.0 * zn * zn - 1.0),
            _SH_C2 * xn * zn, _SH_C22 * (xn * xn - yn * yn),
        ],
        axis=1,
    )
    centers = lax.broadcasted_iota(jnp.int32, (1, N_RBF), 1).astype(
        jnp.float32) * (CUTOFF / (N_RBF - 1))
    width = CUTOFF / N_RBF
    rbf = jnp.exp(-((dd - centers) ** 2) * (1.0 / (2.0 * width * width)))
    cut = 0.5 * (1.0 + jnp.cos(dd * (np.pi / CUTOFF)))
    cut = jnp.where(dd < CUTOFF, cut, 0.0)

    h1 = rbf @ w1t_ref[...] + b1_ref[...]
    h1 = h1 * (1.0 / (1.0 + jnp.exp(-h1)))
    h2 = h1 @ w2t_ref[...] + b2_ref[...]
    h2 = h2 * (1.0 / (1.0 + jnp.exp(-h2)))
    bf16 = jnp.bfloat16
    rw = jax.lax.dot(h2.astype(bf16), w3pt_ref[...],
                     preferred_element_type=jnp.float32) + b3p_ref[...]
    rw = rw * cut

    tm = tm_ref[...]
    rm = rm_ref[...]
    sh288 = jax.lax.dot(sh.astype(bf16), tm,
                        preferred_element_type=jnp.float32)
    rwb = rw.astype(bf16)
    xsb = xsrc_ref[...].astype(bf16)

    acc = jnp.zeros((EB, FP), jnp.float32)
    for i in range(IN_F):
        a = jax.lax.dot(rwb[:, i * OUT_F:(i + 1) * OUT_F], rm,
                        preferred_element_type=jnp.float32)
        b = jax.lax.dot(xsb[:, i * N_HARM:(i + 1) * N_HARM], tm,
                        preferred_element_type=jnp.float32)
        acc = acc + a * b
    out_ref[...] = acc * sh288


def _dense_call(ev_p, x_src, w1t, b1r, w2t, b2r, w3pt, b3pr, tm, rm, tmf):
    grid = (E_PAD // EB,)
    full = lambda shape: pl.BlockSpec(shape, lambda b: (0, 0))
    return pl.pallas_call(
        _dense_body,
        grid=grid,
        in_specs=[
            pl.BlockSpec((EB, 3), lambda b: (b, 0)),
            pl.BlockSpec((EB, FP), lambda b: (b, 0)),
            full((N_RBF, 64)),
            full((1, 64)),
            full((64, 64)),
            full((1, 64)),
            full((64, 1024)),
            full((1, 1024)),
            full((N_HARM, FP)),
            full((OUT_F, FP)),
            full((N_HARM, FP)),
        ],
        out_specs=pl.BlockSpec((EB, FP), lambda b: (b, 0)),
        out_shape=jax.ShapeDtypeStruct((E_PAD, FP), jnp.float32),
    )(ev_p, x_src, w1t, b1r, w2t, b2r, w3pt, b3pr, tm, rm, tmf)


def _window_body(estart_ref, dstc_hbm, msg_hbm, out_ref, dstv, msgv, sem_d,
                 sem_m):
    w = pl.program_id(0)
    e0 = estart_ref[w]
    e1 = estart_ref[w + 1]
    c0 = e0 // CH2
    c1 = lax.div(e1 + CH2 - 1, CH2)
    base = w * WN
    out_ref[...] = jnp.zeros((WN, FP), jnp.float32)

    def chunk(c, carry):
        cp_d = pltpu.make_async_copy(dstc_hbm.at[pl.ds(c, 1)], dstv, sem_d)
        cp_m = pltpu.make_async_copy(
            msg_hbm.at[pl.ds(c * CH2, CH2)], msgv, sem_m)
        cp_d.start()
        cp_m.start()
        cp_d.wait()
        cp_m.wait()
        node_ids = lax.broadcasted_iota(jnp.int32, (WN, CH2), 0) + base
        oh = jnp.where(node_ids == dstv[...], 1.0, 0.0)
        out_ref[...] += oh @ msgv[...]
        return carry

    lax.fori_loop(c0, c1, chunk, 0)


def _window_call(estart, dstc, msg):
    return pl.pallas_call(
        _window_body,
        grid_spec=pltpu.PrefetchScalarGridSpec(
            num_scalar_prefetch=1,
            grid=(NWIN,),
            in_specs=[
                pl.BlockSpec(memory_space=pltpu.MemorySpace.HBM),
                pl.BlockSpec(memory_space=pltpu.MemorySpace.HBM),
            ],
            out_specs=pl.BlockSpec((WN, FP), lambda w, s: (w, 0)),
            scratch_shapes=[
                pltpu.VMEM((1, CH2), jnp.int32),
                pltpu.VMEM((CH2, FP), jnp.float32),
                pltpu.SemaphoreType.DMA,
                pltpu.SemaphoreType.DMA,
            ],
        ),
        out_shape=jax.ShapeDtypeStruct((NWIN * WN, FP), jnp.float32),
    )(estart, dstc, msg)


def _final_body(in_ref, wct_ref, bias_ref, out_ref):
    out_ref[...] = in_ref[...] @ wct_ref[...] + bias_ref[...]


def _final_call(out_pad, wct, bias_row):
    grid = (NWIN * WN // NB,)
    return pl.pallas_call(
        _final_body,
        grid=grid,
        in_specs=[
            pl.BlockSpec((NB, FP), lambda b: (b, 0)),
            pl.BlockSpec((FP, FP), lambda b: (0, 0)),
            pl.BlockSpec((1, FP), lambda b: (0, 0)),
        ],
        out_specs=pl.BlockSpec((NB, FP), lambda b: (b, 0)),
        out_shape=jax.ShapeDtypeStruct((NWIN * WN, FP), jnp.float32),
    )(out_pad, wct, bias_row)


def kernel(x, edge_index, edge_vec, w1, b1, w2, b2, w3, b3, lw0, lw1, lw2, lb):
    f32 = jnp.float32
    x2 = jnp.pad(x.reshape(N_NODES, F), ((0, 0), (0, FP - F)))
    src = edge_index[0]
    dst = edge_index[1]
    npad = E_PAD - src.shape[0]
    src_p = jnp.concatenate([src, jnp.zeros((npad,), jnp.int32)])
    ev_p = jnp.concatenate(
        [edge_vec,
         jnp.tile(jnp.asarray([[1e3, 0.0, 0.0]], f32), (npad, 1))])
    dst_p = jnp.concatenate([dst, jnp.full((npad,), 2 * N_NODES, jnp.int32)])

    order = jnp.argsort(dst_p)
    src_s = src_p[order]
    ev_s = ev_p[order]
    dst_s = dst_p[order]
    estart = jnp.searchsorted(
        dst_s, jnp.arange(NWIN + 1, dtype=jnp.int32) * WN).astype(jnp.int32)
    dstc = dst_s.reshape(NCHUNK, CH2)
    src2 = src_s.reshape(NW, B_PER_W)

    w3p = w3.reshape(OUT_F, IN_F, 64).transpose(1, 0, 2).reshape(1024, 64)
    b3p = b3.reshape(OUT_F, IN_F).T.reshape(1, 1024)
    tm = jnp.asarray(_TM)
    rm = jnp.asarray(_RM)
    e0 = jnp.zeros((N_HARM,), f32).at[0].set(1.0)
    e1 = jnp.zeros((N_HARM,), f32).at[1:4].set(1.0)
    e2 = jnp.zeros((N_HARM,), f32).at[4:9].set(1.0)
    wc = (jnp.kron(lw0, jnp.diag(e0)) + jnp.kron(lw1, jnp.diag(e1))
          + jnp.kron(lw2, jnp.diag(e2)))
    wcp = jnp.zeros((FP, FP), f32).at[:F, :F].set(wc)
    bias_row = jnp.zeros((FP,), f32).at[jnp.arange(OUT_F) * N_HARM].set(lb)

    x_src = _gather_call(x2, src2)
    msg = _dense_call(ev_s, x_src, w1.T, b1.reshape(1, 64), w2.T,
                      b2.reshape(1, 64), w3p.T.astype(jnp.bfloat16), b3p,
                      tm.astype(jnp.bfloat16), rm.astype(jnp.bfloat16), tm)
    out_pad = _window_call(estart, dstc, msg)
    res_pad = _final_call(out_pad, wcp.T, bias_row.reshape(1, FP))
    return res_pad[:N_NODES, :F].reshape(N_NODES, OUT_F, N_HARM)

# --- scband reference (transcript-rebuilt; emitter-appended) ---
"""Pipeline reference for scband-so3-layer-36163624632816 (READ-ONLY COPY).

The authoritative reference and input builder live on the scoring server;
editing this copy changes nothing except your own understanding.
"""

import jax, jax.numpy as jnp
import numpy as np

N_NODES = 10000
N_EDGES = 100000
IN_F = 32
OUT_F = 32
LMAX = 2
N_RBF = 16
CUTOFF = 5.0
N_HARM = (LMAX + 1) ** 2


def spherical_harmonics(vec):
    r = jnp.linalg.norm(vec, axis=-1, keepdims=True)
    n = vec / (r + 1e-12)
    x, y, z = n[..., 0], n[..., 1], n[..., 2]
    c0 = 0.28209479177387814
    c1 = 0.4886025119029199
    c2 = 1.0925484305920792
    c20 = 0.31539156525252005
    c22 = 0.5462742152960396
    return jnp.stack([
        jnp.full_like(x, c0),
        c1 * y, c1 * z, c1 * x,
        c2 * x * y, c2 * y * z, c20 * (3.0 * z * z - 1.0),
        c2 * x * z, c22 * (x * x - y * y),
    ], axis=-1)


def setup_inputs(seed: int = 0):
    key = jax.random.key(seed)
    ks = jax.random.split(key, 16)
    x = jax.random.normal(ks[0], (N_NODES, IN_F, N_HARM), dtype=jnp.float32)
    edge_index = jax.random.randint(ks[1], (2, N_EDGES), 0, N_NODES, dtype=jnp.int32)
    edge_vec = jax.random.normal(ks[2], (N_EDGES, 3), dtype=jnp.float32)
    w1 = jax.random.normal(ks[3], (64, N_RBF), dtype=jnp.float32) / np.sqrt(N_RBF)
    b1 = jnp.zeros((64,), dtype=jnp.float32)
    w2 = jax.random.normal(ks[4], (64, 64), dtype=jnp.float32) / 8.0
    b2 = jnp.zeros((64,), dtype=jnp.float32)
    w3 = jax.random.normal(ks[5], (IN_F * OUT_F, 64), dtype=jnp.float32) / 8.0
    b3 = jnp.zeros((IN_F * OUT_F,), dtype=jnp.float32)
    lw0 = jax.random.normal(ks[6], (OUT_F, OUT_F), dtype=jnp.float32) / np.sqrt(OUT_F)
    lw1 = jax.random.normal(ks[7], (OUT_F, OUT_F), dtype=jnp.float32) / np.sqrt(OUT_F)
    lw2 = jax.random.normal(ks[8], (OUT_F, OUT_F), dtype=jnp.float32) / np.sqrt(OUT_F)
    lb = jnp.zeros((OUT_F,), dtype=jnp.float32)
    return {"x": x, "edge_index": edge_index, "edge_vec": edge_vec,
            "w1": w1, "b1": b1, "w2": w2, "b2": b2, "w3": w3, "b3": b3,
            "lw0": lw0, "lw1": lw1, "lw2": lw2, "lb": lb}


def so3_layer(x, edge_index, edge_vec, w1, b1, w2, b2, w3, b3, lw0, lw1, lw2, lb):
    src = edge_index[0]
    dst = edge_index[1]
    d = jnp.linalg.norm(edge_vec, axis=-1)
    sh = spherical_harmonics(edge_vec)
    centers = jnp.linspace(0.0, CUTOFF, N_RBF).astype(x.dtype)
    widths = jnp.full((N_RBF,), CUTOFF / N_RBF, dtype=x.dtype)
    rbf = jnp.exp(-(d[:, None] - centers[None, :]) ** 2 / (2.0 * widths[None, :] ** 2))
    cut = 0.5 * (1.0 + jnp.cos(jnp.pi * d / CUTOFF)) * (d < CUTOFF).astype(x.dtype)
    h = jax.nn.silu(rbf @ w1.T + b1)
    h = jax.nn.silu(h @ w2.T + b2)
    rw = (h @ w3.T + b3).reshape(-1, OUT_F, IN_F)
    rw = rw * cut[:, None, None]
    x_src = jnp.take(x, src, axis=0)
    msg = x_src * sh[:, None, :]
    msg = jnp.einsum('eoi,eih->eoh', rw, msg)
    out = jnp.zeros((x.shape[0], OUT_F, N_HARM), dtype=x.dtype).at[dst].add(msg)
    res = jnp.zeros_like(out)
    idx = 0
    for l, w in zip(range(LMAX + 1), (lw0, lw1, lw2)):
        n_m = 2 * l + 1
        res = res.at[..., idx:idx + n_m].set(jnp.einsum('nim,oi->nom', out[..., idx:idx + n_m], w))
        idx += n_m
    res = res.at[..., 0].add(lb[None, :])
    return res


def reference(x, edge_index, edge_vec, w1, b1, w2, b2, w3, b3, lw0, lw1, lw2, lb):
    return so3_layer(x, edge_index, edge_vec, w1, b1, w2, b2, w3, b3, lw0, lw1, lw2, lb)

if __name__ == "__main__":
    import jax
    _d = setup_inputs()
    print(jax.jit(kernel)(*tuple(_d.values())))

</pallas_src>

<mosaic_0001>
#map = affine_map<(d0, d1) -> (0, 0)>
module attributes {stable_mosaic.version = 14 : i64} {
  func.func @_gather_body(%arg0: i32, %arg1: i32, %arg2: memref<10000x384xf32, #tpu.memory_space<hbm>>, %arg3: memref<32x3200xi32, #tpu.memory_space<hbm>>, %arg4: memref<102400x384xf32, #tpu.memory_space<hbm>>, %arg5: memref<3200xi32, #tpu.memory_space<vmem>>, %arg6: memref<128x384xf32, #tpu.memory_space<vmem>>, %arg7: memref<!tpu.dma_semaphore, #tpu.memory_space<semaphore_mem>>) attributes {dimension_semantics = [#tpu.dimension_semantics<core_parallel>, #tpu.dimension_semantics<subcore_parallel>], iteration_bounds = array<i64: 2, 16>, scalar_prefetch = 0 : i64, scratch_operands = 3 : i64, tpu.core_type = #tpu.core_type<sc_vector_subcore>, window_params = [{transform_indices = #map}, {transform_indices = #map}, {transform_indices = #map}]} {
    %mul3A = arith.constant 2 : i32
    %mul3A_0 = arith.muli %arg1, %mul3A : i32
    %add3A = arith.addi %mul3A_0, %arg0 : i32
    %mul3A_1 = arith.constant 3200 : i32
    %mul3A_2 = arith.muli %add3A, %mul3A_1 : i32
    "tpu.region"() ({
      %run_scoped3A = tpu.sem_alloc : memref<!tpu.dma_semaphore, #tpu.memory_space<semaphore_mem>>
      %dma_start3A = arith.constant 0 : i32
      %dma_start3A_8 = tpu.memref_slice %arg3[%add3A, %dma_start3A] : memref<32x3200xi32, #tpu.memory_space<hbm>> -> memref<1x3200xi32, #tpu.memory_space<hbm>>
      %dma_start3A_9 = tpu.memref_squeeze %dma_start3A_8 : memref<1x3200xi32, #tpu.memory_space<hbm>> -> memref<3200xi32, #tpu.memory_space<hbm>>
      %dma_start3A_10 = arith.constant 0 : i32
      %dma_start3A_11 = tpu.memref_slice %arg3[%add3A, %dma_start3A_10] : memref<32x3200xi32, #tpu.memory_space<hbm>> -> memref<1x3200xi32, #tpu.memory_space<hbm>>
      %dma_start3A_12 = tpu.memref_squeeze %dma_start3A_11 : memref<1x3200xi32, #tpu.memory_space<hbm>> -> memref<3200xi32, #tpu.memory_space<hbm>>
      tpu.enqueue_dma source(%dma_start3A_12 : memref<3200xi32, #tpu.memory_space<hbm>>) target(%arg5 : memref<3200xi32, #tpu.memory_space<vmem>>) target_semaphore(%run_scoped3A : memref<!tpu.dma_semaphore, #tpu.memory_space<semaphore_mem>>)
      %dma_wait3A = arith.constant 0 : i32
      %dma_wait3A_13 = tpu.memref_slice %arg3[%add3A, %dma_wait3A] : memref<32x3200xi32, #tpu.memory_space<hbm>> -> memref<1x3200xi32, #tpu.memory_space<hbm>>
      %dma_wait3A_14 = tpu.memref_squeeze %dma_wait3A_13 : memref<1x3200xi32, #tpu.memory_space<hbm>> -> memref<3200xi32, #tpu.memory_space<hbm>>
      %dma_wait3A_15 = arith.constant 0 : i32
      %dma_wait3A_16 = tpu.memref_slice %arg3[%add3A, %dma_wait3A_15] : memref<32x3200xi32, #tpu.memory_space<hbm>> -> memref<1x3200xi32, #tpu.memory_space<hbm>>
      %dma_wait3A_17 = tpu.memref_squeeze %dma_wait3A_16 : memref<1x3200xi32, #tpu.memory_space<hbm>> -> memref<3200xi32, #tpu.memory_space<hbm>>
      tpu.wait_dma2 semaphore(%run_scoped3A : memref<!tpu.dma_semaphore, #tpu.memory_space<semaphore_mem>>) src(%dma_wait3A_17 : memref<3200xi32, #tpu.memory_space<hbm>>) dst(%arg5 : memref<3200xi32, #tpu.memory_space<vmem>>)
      tpu.yield
    }) : () -> ()
    %scan3A = arith.constant 0 : i32
    %scan3A_3 = arith.constant 0 : i32
    %scan3A_4 = arith.constant 25 : i32
    %scan3A_5 = arith.addi %scan3A_3, %scan3A_4 : i32
    %scan3A_6 = arith.constant 1 : i32
    scf.for %scan3A_8 = %scan3A_3 to %scan3A_5 step %scan3A_6  : i32 {
      %mul3A_9 = arith.constant 128 : i32
      %mul3A_10 = arith.muli %scan3A_8, %mul3A_9 : i32
      %dma_start3A = tpu.memref_slice %arg5[%mul3A_10] : memref<3200xi32, #tpu.memory_space<vmem>> -> memref<128xi32, #tpu.memory_space<vmem>>
      %dma_start3A_11 = arith.constant 0 : i32
      %dma_start3A_12 = arith.constant 0 : i32
      %dma_start3A_13 = tpu.memref_slice %arg2[%dma_start3A_11, %dma_start3A_12] : memref<10000x384xf32, #tpu.memory_space<hbm>> -> memref<10000x384xf32, #tpu.memory_space<hbm>>
      tpu.enqueue_indirect_dma source(%dma_start3A_13 : memref<10000x384xf32, #tpu.memory_space<hbm>>) target(%arg6 : memref<128x384xf32, #tpu.memory_space<vmem>>) offsets(%dma_start3A : memref<128xi32, #tpu.memory_space<vmem>>) semaphore(%arg7 : memref<!tpu.dma_semaphore, #tpu.memory_space<semaphore_mem>>)
      %dma_wait3A = tpu.memref_slice %arg5[%mul3A_10] : memref<3200xi32, #tpu.memory_space<vmem>> -> memref<128xi32, #tpu.memory_space<vmem>>
      %dma_wait3A_14 = arith.constant 0 : i32
      %dma_wait3A_15 = arith.constant 0 : i32
      %dma_wait3A_16 = tpu.memref_slice %arg2[%dma_wait3A_14, %dma_wait3A_15] : memref<10000x384xf32, #tpu.memory_space<hbm>> -> memref<10000x384xf32, #tpu.memory_space<hbm>>
      tpu.wait_indirect_dma semaphore(%arg7 : memref<!tpu.dma_semaphore, #tpu.memory_space<semaphore_mem>>) src(%dma_wait3A_16 : memref<10000x384xf32, #tpu.memory_space<hbm>>) dst(%arg6 : memref<128x384xf32, #tpu.memory_space<vmem>>)
      %mul3A_17 = arith.constant 128 : i32
      %mul3A_18 = arith.muli %scan3A_8, %mul3A_17 : i32
      %add3A_19 = arith.addi %mul3A_2, %mul3A_18 : i32
      "tpu.region"() ({
        %run_scoped3A = tpu.sem_alloc : memref<!tpu.dma_semaphore, #tpu.memory_space<semaphore_mem>>
        %dma_start3A_20 = arith.constant 0 : i32
        %dma_start3A_21 = tpu.memref_slice %arg4[%add3A_19, %dma_start3A_20] : memref<102400x384xf32, #tpu.memory_space<hbm>> -> memref<128x384xf32, #tpu.memory_space<hbm>>
        %dma_start3A_22 = arith.constant 0 : i32
        %dma_start3A_23 = tpu.memref_slice %arg4[%add3A_19, %dma_start3A_22] : memref<102400x384xf32, #tpu.memory_space<hbm>> -> memref<128x384xf32, #tpu.memory_space<hbm>>
        tpu.enqueue_dma source(%arg6 : memref<128x384xf32, #tpu.memory_space<vmem>>) target(%dma_start3A_23 : memref<128x384xf32, #tpu.memory_space<hbm>>) target_semaphore(%run_scoped3A : memref<!tpu.dma_semaphore, #tpu.memory_space<semaphore_mem>>)
        %dma_wait3A_24 = arith.constant 0 : i32
        %dma_wait3A_25 = tpu.memref_slice %arg4[%add3A_19, %dma_wait3A_24] : memref<102400x384xf32, #tpu.memory_space<hbm>> -> memref<128x384xf32, #tpu.memory_space<hbm>>
        %dma_wait3A_26 = arith.constant 0 : i32
        %dma_wait3A_27 = tpu.memref_slice %arg4[%add3A_19, %dma_wait3A_26] : memref<102400x384xf32, #tpu.memory_space<hbm>> -> memref<128x384xf32, #tpu.memory_space<hbm>>
        tpu.wait_dma2 semaphore(%run_scoped3A : memref<!tpu.dma_semaphore, #tpu.memory_space<semaphore_mem>>) src(%arg6 : memref<128x384xf32, #tpu.memory_space<vmem>>) dst(%dma_wait3A_27 : memref<128x384xf32, #tpu.memory_space<hbm>>)
        tpu.yield
      }) : () -> ()
    }
    %scan3A_7 = arith.constant 25 : i32
    return
  }
}

module attributes {stable_mosaic.version = 14 : i64} {
  func.func @_dense_body(%arg0: i32, %arg1: memref<1024x3xf32, #tpu.memory_space<vmem>>, %arg2: memref<1024x384xf32, #tpu.memory_space<vmem>>, %arg3: memref<16x64xf32, #tpu.memory_space<vmem>>, %arg4: memref<1x64xf32, #tpu.memory_space<vmem>>, %arg5: memref<64x64xf32, #tpu.memory_space<vmem>>, %arg6: memref<1x64xf32, #tpu.memory_space<vmem>>, %arg7: memref<64x1024xbf16, #tpu.memory_space<vmem>>, %arg8: memref<1x1024xf32, #tpu.memory_space<vmem>>, %arg9: memref<9x384xbf16, #tpu.memory_space<vmem>>, %arg10: memref<32x384xbf16, #tpu.memory_space<vmem>>, %arg11: memref<9x384xf32, #tpu.memory_space<vmem>>, %arg12: memref<1024x384xf32, #tpu.memory_space<vmem>>) attributes {dimension_semantics = [#tpu.dimension_semantics<arbitrary>], iteration_bounds = array<i64: 100>, scalar_prefetch = 0 : i64, scratch_operands = 0 : i64, tpu.core_type = #tpu.core_type<tc>, window_params = [{transform_indices = @transform_0, window_bounds = array<i64: 1024, 3>}, {transform_indices = @transform_1, window_bounds = array<i64: 1024, 384>}, {pipeline_mode = #tpu.pipeline_mode<synchronous>, transform_indices = @transform_2, window_bounds = array<i64: 16, 64>}, {pipeline_mode = #tpu.pipeline_mode<synchronous>, transform_indices = @transform_3, window_bounds = array<i64: 1, 64>}, {pipeline_mode = #tpu.pipeline_mode<synchronous>, transform_indices = @transform_4, window_bounds = array<i64: 64, 64>}, {pipeline_mode = #tpu.pipeline_mode<synchronous>, transform_indices = @transform_5, window_bounds = array<i64: 1, 64>}, {pipeline_mode = #tpu.pipeline_mode<synchronous>, transform_indices = @transform_6, window_bounds = array<i64: 64, 1024>}, {pipeline_mode = #tpu.pipeline_mode<synchronous>, transform_indices = @transform_7, window_bounds = array<i64: 1, 1024>}, {pipeline_mode = #tpu.pipeline_mode<synchronous>, transform_indices = @transform_8, window_bounds = array<i64: 9, 384>}, {pipeline_mode = #tpu.pipeline_mode<synchronous>, transform_indices = @transform_9, window_bounds = array<i64: 32, 384>}, {pipeline_mode = #tpu.pipeline_mode<synchronous>, transform_indices = @transform_10, window_bounds = array<i64: 9, 384>}, {transform_indices = @transform_11, window_bounds = array<i64: 1024, 384>}]} {
    %get3A = arith.constant 0 : index
    %get3A_0 = arith.constant 0 : index
    %get3A_1 = vector.load %arg1[%get3A, %get3A_0] : memref<1024x3xf32, #tpu.memory_space<vmem>>, vector<1024x3xf32>
    %mul3A = arith.mulf %get3A_1, %get3A_1 : vector<1024x3xf32>
    %reduce_sum3A = arith.constant dense<0.000000e+00> : vector<1024xf32>
    %reduce_sum3A_2 = vector.multi_reduction <add>, %mul3A, %reduce_sum3A [1] : vector<1024x3xf32> to vector<1024xf32>
    %broadcast_in_dim3A = vector.shape_cast %reduce_sum3A_2 : vector<1024xf32> to vector<1024x1xf32>
    %sqrt3A = math.sqrt %broadcast_in_dim3A : vector<1024x1xf32>
    %add3A = arith.constant 9.99999996E-13 : f32
    %add3A_3 = vector.broadcast %add3A : f32 to vector<1024x1xf32>
    %add3A_4 = arith.addf %sqrt3A, %add3A_3 : vector<1024x1xf32>
    %div3A = vector.broadcast %add3A_4 : vector<1024x1xf32> to vector<1024x3xf32>
    %div3A_5 = arith.divf %get3A_1, %div3A : vector<1024x3xf32>
    %slice3A = vector.extract_strided_slice %div3A_5 {offsets = [0, 0], sizes = [1024, 1], strides = [1, 1]} : vector<1024x3xf32> to vector<1024x1xf32>
    %slice3A_6 = vector.extract_strided_slice %div3A_5 {offsets = [0, 1], sizes = [1024, 1], strides = [1, 1]} : vector<1024x3xf32> to vector<1024x1xf32>
    %slice3A_7 = vector.extract_strided_slice %div3A_5 {offsets = [0, 2], sizes = [1024, 1], strides = [1, 1]} : vector<1024x3xf32> to vector<1024x1xf32>
    %broadcast_in_dim3A_8 = arith.constant 0.282094806 : f32
    %broadcast_in_dim3A_9 = vector.broadcast %broadcast_in_dim3A_8 : f32 to vector<1024x1xf32>
    %mul3A_10 = arith.constant 0.488602519 : f32
    %mul3A_11 = vector.broadcast %mul3A_10 : f32 to vector<1024x1xf32>
    %mul3A_12 = arith.mulf %mul3A_11, %slice3A_6 : vector<1024x1xf32>
    %mul3A_13 = arith.constant 0.488602519 : f32
    %mul3A_14 = vector.broadcast %mul3A_13 : f32 to vector<1024x1xf32>
    %mul3A_15 = arith.mulf %mul3A_14, %slice3A_7 : vector<1024x1xf32>
    %mul3A_16 = arith.constant 0.488602519 : f32
    %mul3A_17 = vector.broadcast %mul3A_16 : f32 to vector<1024x1xf32>
    %mul3A_18 = arith.mulf %mul3A_17, %slice3A : vector<1024x1xf32>
    %mul3A_19 = arith.constant 1.09254849 : f32
    %mul3A_20 = vector.broadcast %mul3A_19 : f32 to vector<1024x1xf32>
    %mul3A_21 = arith.mulf %mul3A_20, %slice3A : vector<1024x1xf32>
    %mul3A_22 = arith.mulf %mul3A_21, %slice3A_6 : vector<1024x1xf32>
    %mul3A_23 = arith.constant 1.09254849 : f32
    %mul3A_24 = vector.broadcast %mul3A_23 : f32 to vector<1024x1xf32>
    %mul3A_25 = arith.mulf %mul3A_24, %slice3A_6 : vector<1024x1xf32>
    %mul3A_26 = arith.mulf %mul3A_25, %slice3A_7 : vector<1024x1xf32>
    %mul3A_27 = arith.constant 3.000000e+00 : f32
    %mul3A_28 = vector.broadcast %mul3A_27 : f32 to vector<1024x1xf32>
    %mul3A_29 = arith.mulf %mul3A_28, %slice3A_7 : vector<1024x1xf32>
    %mul3A_30 = arith.mulf %mul3A_29, %slice3A_7 : vector<1024x1xf32>
    %sub3A = arith.constant 1.000000e+00 : f32
    %sub3A_31 = vector.broadcast %sub3A : f32 to vector<1024x1xf32>
    %sub3A_32 = arith.subf %mul3A_30, %sub3A_31 : vector<1024x1xf32>
    %mul3A_33 = arith.constant 0.31539157 : f32
    %mul3A_34 = vector.broadcast %mul3A_33 : f32 to vector<1024x1xf32>
    %mul3A_35 = arith.mulf %mul3A_34, %sub3A_32 : vector<1024x1xf32>
    %mul3A_36 = arith.constant 1.09254849 : f32
    %mul3A_37 = vector.broadcast %mul3A_36 : f32 to vector<1024x1xf32>
    %mul3A_38 = arith.mulf %mul3A_37, %slice3A : vector<1024x1xf32>
    %mul3A_39 = arith.mulf %mul3A_38, %slice3A_7 : vector<1024x1xf32>
    %mul3A_40 = arith.mulf %slice3A, %slice3A : vector<1024x1xf32>
    %mul3A_41 = arith.mulf %slice3A_6, %slice3A_6 : vector<1024x1xf32>
    %sub3A_42 = arith.subf %mul3A_40, %mul3A_41 : vector<1024x1xf32>
    %mul3A_43 = arith.constant 0.546274245 : f32
    %mul3A_44 = vector.broadcast %mul3A_43 : f32 to vector<1024x1xf32>
    %mul3A_45 = arith.mulf %mul3A_44, %sub3A_42 : vector<1024x1xf32>
    %concatenate3A = tpu.concatenate %broadcast_in_dim3A_9, %mul3A_12, %mul3A_15, %mul3A_18, %mul3A_22, %mul3A_26, %mul3A_35, %mul3A_39, %mul3A_45 in 1 : vector<1024x1xf32>, vector<1024x1xf32>, vector<1024x1xf32>, vector<1024x1xf32>, vector<1024x1xf32>, vector<1024x1xf32>, vector<1024x1xf32>, vector<1024x1xf32>, vector<1024x1xf32> -> vector<1024x9xf32>
    %iota3A = tpu.iota {dimensions = array<i32: 1>} : vector<1x16xi32>
    %convert_element_type3A = arith.sitofp %iota3A : vector<1x16xi32> to vector<1x16xf32>
    %mul3A_46 = arith.constant 0.333333343 : f32
    %mul3A_47 = vector.broadcast %mul3A_46 : f32 to vector<1x16xf32>
    %mul3A_48 = arith.mulf %convert_element_type3A, %mul3A_47 : vector<1x16xf32>
    %sub3A_49 = vector.broadcast %sqrt3A : vector<1024x1xf32> to vector<1024x16xf32>
    %sub3A_50 = vector.broadcast %mul3A_48 : vector<1x16xf32> to vector<1024x16xf32>
    %sub3A_51 = arith.subf %sub3A_49, %sub3A_50 : vector<1024x16xf32>
    %integer_pow3A = arith.mulf %sub3A_51, %sub3A_51 : vector<1024x16xf32>
    %neg3A = arith.constant 0.000000e+00 : f32
    %neg3A_52 = vector.broadcast %neg3A : f32 to vector<1024x16xf32>
    %neg3A_53 = arith.subf %neg3A_52, %integer_pow3A : vector<1024x16xf32>
    %mul3A_54 = arith.constant 5.120000e+00 : f32
    %mul3A_55 = vector.broadcast %mul3A_54 : f32 to vector<1024x16xf32>
    %mul3A_56 = arith.mulf %neg3A_53, %mul3A_55 : vector<1024x16xf32>
    %exp3A = math.exp %mul3A_56 : vector<1024x16xf32>
    %mul3A_57 = arith.constant 0.628318548 : f32
    %mul3A_58 = vector.broadcast %mul3A_57 : f32 to vector<1024x1xf32>
    %mul3A_59 = arith.mulf %sqrt3A, %mul3A_58 : vector<1024x1xf32>
    %cos3A = math.cos %mul3A_59 : vector<1024x1xf32>
    %add3A_60 = arith.constant 1.000000e+00 : f32
    %add3A_61 = vector.broadcast %add3A_60 : f32 to vector<1024x1xf32>
    %add3A_62 = arith.addf %add3A_61, %cos3A : vector<1024x1xf32>
    %mul3A_63 = arith.constant 5.000000e-01 : f32
    %mul3A_64 = vector.broadcast %mul3A_63 : f32 to vector<1024x1xf32>
    %mul3A_65 = arith.mulf %mul3A_64, %add3A_62 : vector<1024x1xf32>
    %lt3A = arith.constant 5.000000e+00 : f32
    %lt3A_66 = vector.broadcast %lt3A : f32 to vector<1024x1xf32>
    %lt3A_67 = arith.cmpf olt, %sqrt3A, %lt3A_66 : vector<1024x1xf32>
    %jit3A = arith.constant 0.000000e+00 : f32
    %broadcast_in_dim3A_68 = vector.broadcast %jit3A : f32 to vector<1024x1xf32>
    %select_n3A = arith.select %lt3A_67, %mul3A_65, %broadcast_in_dim3A_68 : vector<1024x1xi1>, vector<1024x1xf32>
    %get3A_69 = arith.constant 0 : index
    %get3A_70 = arith.constant 0 : index
    %get3A_71 = vector.load %arg3[%get3A_69, %get3A_70] : memref<16x64xf32, #tpu.memory_space<vmem>>, vector<16x64xf32>
    %dot_general3A = arith.constant dense<0.000000e+00> : vector<1024x64xf32>
    %dot_general3A_72 = tpu.matmul %exp3A, %get3A_71, %dot_general3A {dimension_numbers = #tpu.dot_dimension_numbers<[1], [0], [0], [1], [0, 0, 1, 1], [], []>, transpose_lhs_hint = false} : vector<1024x16xf32>, vector<16x64xf32>, vector<1024x64xf32> -> vector<1024x64xf32>
    %get3A_73 = arith.constant 0 : index
    %get3A_74 = arith.constant 0 : index
    %get3A_75 = vector.load %arg4[%get3A_73, %get3A_74] : memref<1x64xf32, #tpu.memory_space<vmem>>, vector<1x64xf32>
    %add3A_76 = vector.broadcast %get3A_75 : vector<1x64xf32> to vector<1024x64xf32>
    %add3A_77 = arith.addf %dot_general3A_72, %add3A_76 : vector<1024x64xf32>
    %neg3A_78 = arith.constant 0.000000e+00 : f32
    %neg3A_79 = vector.broadcast %neg3A_78 : f32 to vector<1024x64xf32>
    %neg3A_80 = arith.subf %neg3A_79, %add3A_77 : vector<1024x64xf32>
    %exp3A_81 = math.exp %neg3A_80 : vector<1024x64xf32>
    %add3A_82 = arith.constant 1.000000e+00 : f32
    %add3A_83 = vector.broadcast %add3A_82 : f32 to vector<1024x64xf32>
    %add3A_84 = arith.addf %add3A_83, %exp3A_81 : vector<1024x64xf32>
    %div3A_85 = arith.constant 1.000000e+00 : f32
    %div3A_86 = vector.broadcast %div3A_85 : f32 to vector<1024x64xf32>
    %div3A_87 = arith.divf %div3A_86, %add3A_84 : vector<1024x64xf32>
    %mul3A_88 = arith.mulf %add3A_77, %div3A_87 : vector<1024x64xf32>
    %get3A_89 = arith.constant 0 : index
    %get3A_90 = arith.constant 0 : index
    %get3A_91 = vector.load %arg5[%get3A_89, %get3A_90] : memref<64x64xf32, #tpu.memory_space<vmem>>, vector<64x64xf32>
    %dot_general3A_92 = arith.constant dense<0.000000e+00> : vector<1024x64xf32>
    %dot_general3A_93 = tpu.matmul %mul3A_88, %get3A_91, %dot_general3A_92 {dimension_numbers = #tpu.dot_dimension_numbers<[1], [0], [0], [1], [0, 0, 1, 1], [], []>, transpose_lhs_hint = false} : vector<1024x64xf32>, vector<64x64xf32>, vector<1024x64xf32> -> vector<1024x64xf32>
    %get3A_94 = arith.constant 0 : index
    %get3A_95 = arith.constant 0 : index
    %get3A_96 = vector.load %arg6[%get3A_94, %get3A_95] : memref<1x64xf32, #tpu.memory_space<vmem>>, vector<1x64xf32>
    %add3A_97 = vector.broadcast %get3A_96 : vector<1x64xf32> to vector<1024x64xf32>
    %add3A_98 = arith.addf %dot_general3A_93, %add3A_97 : vector<1024x64xf32>
    %neg3A_99 = arith.constant 0.000000e+00 : f32
    %neg3A_100 = vector.broadcast %neg3A_99 : f32 to vector<1024x64xf32>
    %neg3A_101 = arith.subf %neg3A_100, %add3A_98 : vector<1024x64xf32>
    %exp3A_102 = math.exp %neg3A_101 : vector<1024x64xf32>
    %add3A_103 = arith.constant 1.000000e+00 : f32
    %add3A_104 = vector.broadcast %add3A_103 : f32 to vector<1024x64xf32>
    %add3A_105 = arith.addf %add3A_104, %exp3A_102 : vector<1024x64xf32>
    %div3A_106 = arith.constant 1.000000e+00 : f32
    %div3A_107 = vector.broadcast %div3A_106 : f32 to vector<1024x64xf32>
    %div3A_108 = arith.divf %div3A_107, %add3A_105 : vector<1024x64xf32>
    %mul3A_109 = arith.mulf %add3A_98, %div3A_108 : vector<1024x64xf32>
    %convert_element_type3A_110 = arith.truncf %mul3A_109 : vector<1024x64xf32> to vector<1024x64xbf16>
    %get3A_111 = arith.constant 0 : index
    %get3A_112 = arith.constant 0 : index
    %get3A_113 = vector.load %arg7[%get3A_111, %get3A_112] : memref<64x1024xbf16, #tpu.memory_space<vmem>>, vector<64x1024xbf16>
    %dot_general3A_114 = arith.constant dense<0.000000e+00> : vector<1024x1024xf32>
    %dot_general3A_115 = tpu.matmul %convert_element_type3A_110, %get3A_113, %dot_general3A_114 {dimension_numbers = #tpu.dot_dimension_numbers<[1], [0], [0], [1], [0, 0, 1, 1], [], []>, transpose_lhs_hint = false} : vector<1024x64xbf16>, vector<64x1024xbf16>, vector<1024x1024xf32> -> vector<1024x1024xf32>
    %get3A_116 = arith.constant 0 : index
    %get3A_117 = arith.constant 0 : index
    %get3A_118 = vector.load %arg8[%get3A_116, %get3A_117] : memref<1x1024xf32, #tpu.memory_space<vmem>>, vector<1x1024xf32>
    %add3A_119 = vector.broadcast %get3A_118 : vector<1x1024xf32> to vector<1024x1024xf32>
    %add3A_120 = arith.addf %dot_general3A_115, %add3A_119 : vector<1024x1024xf32>
    %mul3A_121 = vector.broadcast %select_n3A : vector<1024x1xf32> to vector<1024x1024xf32>
    %mul3A_122 = arith.mulf %add3A_120, %mul3A_121 : vector<1024x1024xf32>
    %get3A_123 = arith.constant 0 : index
    %get3A_124 = arith.constant 0 : index
    %get3A_125 = vector.load %arg9[%get3A_123, %get3A_124] : memref<9x384xbf16, #tpu.memory_space<vmem>>, vector<9x384xbf16>
    %get3A_126 = arith.constant 0 : index
    %get3A_127 = arith.constant 0 : index
    %get3A_128 = vector.load %arg10[%get3A_126, %get3A_127] : memref<32x384xbf16, #tpu.memory_space<vmem>>, vector<32x384xbf16>
    %convert_element_type3A_129 = arith.truncf %concatenate3A : vector<1024x9xf32> to vector<1024x9xbf16>
    %dot_general3A_130 = arith.constant dense<0.000000e+00> : vector<1024x384xf32>
    %dot_general3A_131 = tpu.matmul %convert_element_type3A_129, %get3A_125, %dot_general3A_130 {dimension_numbers = #tpu.dot_dimension_numbers<[1], [0], [0], [1], [0, 0, 1, 1], [], []>, transpose_lhs_hint = false} : vector<1024x9xbf16>, vector<9x384xbf16>, vector<1024x384xf32> -> vector<1024x384xf32>
    %convert_element_type3A_132 = arith.truncf %mul3A_122 : vector<1024x1024xf32> to vector<1024x1024xbf16>
    %get3A_133 = arith.constant 0 : index
    %get3A_134 = arith.constant 0 : index
    %get3A_135 = vector.load %arg2[%get3A_133, %get3A_134] : memref<1024x384xf32, #tpu.memory_space<vmem>>, vector<1024x384xf32>
    %convert_element_type3A_136 = arith.truncf %get3A_135 : vector<1024x384xf32> to vector<1024x384xbf16>
    %broadcast_in_dim3A_137 = arith.constant 0.000000e+00 : f32
    %broadcast_in_dim3A_138 = vector.broadcast %broadcast_in_dim3A_137 : f32 to vector<1024x384xf32>
    %slice3A_139 = vector.extract_strided_slice %convert_element_type3A_132 {offsets = [0, 0], sizes = [1024, 32], strides = [1, 1]} : vector<1024x1024xbf16> to vector<1024x32xbf16>
    %dot_general3A_140 = arith.constant dense<0.000000e+00> : vector<1024x384xf32>
    %dot_general3A_141 = tpu.matmul %slice3A_139, %get3A_128, %dot_general3A_140 {dimension_numbers = #tpu.dot_dimension_numbers<[1], [0], [0], [1], [0, 0, 1, 1], [], []>, transpose_lhs_hint = false} : vector<1024x32xbf16>, vector<32x384xbf16>, vector<1024x384xf32> -> vector<1024x384xf32>
    %slice3A_142 = vector.extract_strided_slice %convert_element_type3A_136 {offsets = [0, 0], sizes = [1024, 9], strides = [1, 1]} : vector<1024x384xbf16> to vector<1024x9xbf16>
    %dot_general3A_143 = arith.constant dense<0.000000e+00> : vector<1024x384xf32>
    %dot_general3A_144 = tpu.matmul %slice3A_142, %get3A_125, %dot_general3A_143 {dimension_numbers = #tpu.dot_dimension_numbers<[1], [0], [0], [1], [0, 0, 1, 1], [], []>, transpose_lhs_hint = false} : vector<1024x9xbf16>, vector<9x384xbf16>, vector<1024x384xf32> -> vector<1024x384xf32>
    %mul3A_145 = arith.mulf %dot_general3A_141, %dot_general3A_144 : vector<1024x384xf32>
    %add3A_146 = arith.addf %broadcast_in_dim3A_138, %mul3A_145 : vector<1024x384xf32>
    %slice3A_147 = vector.extract_strided_slice %convert_element_type3A_132 {offsets = [0, 32], sizes = [1024, 32], strides = [1, 1]} : vector<1024x1024xbf16> to vector<1024x32xbf16>
    %dot_general3A_148 = arith.constant dense<0.000000e+00> : vector<1024x384xf32>
    %dot_general3A_149 = tpu.matmul %slice3A_147, %get3A_128, %dot_general3A_148 {dimension_numbers = #tpu.dot_dimension_numbers<[1], [0], [0], [1], [0, 0, 1, 1], [], []>, transpose_lhs_hint = false} : vector<1024x32xbf16>, vector<32x384xbf16>, vector<1024x384xf32> -> vector<1024x384xf32>
    %slice3A_150 = vector.extract_strided_slice %convert_element_type3A_136 {offsets = [0, 9], sizes = [1024, 9], strides = [1, 1]} : vector<1024x384xbf16> to vector<1024x9xbf16>
    %dot_general3A_151 = arith.constant dense<0.000000e+00> : vector<1024x384xf32>
    %dot_general3A_152 = tpu.matmul %slice3A_150, %get3A_125, %dot_general3A_151 {dimension_numbers = #tpu.dot_dimension_numbers<[1], [0], [0], [1], [0, 0, 1, 1], [], []>, transpose_lhs_hint = false} : vector<1024x9xbf16>, vector<9x384xbf16>, vector<1024x384xf32> -> vector<1024x384xf32>
    %mul3A_153 = arith.mulf %dot_general3A_149, %dot_general3A_152 : vector<1024x384xf32>
    %add3A_154 = arith.addf %add3A_146, %mul3A_153 : vector<1024x384xf32>
    %slice3A_155 = vector.extract_strided_slice %convert_element_type3A_132 {offsets = [0, 64], sizes = [1024, 32], strides = [1, 1]} : vector<1024x1024xbf16> to vector<1024x32xbf16>
    %dot_general3A_156 = arith.constant dense<0.000000e+00> : vector<1024x384xf32>
    %dot_general3A_157 = tpu.matmul %slice3A_155, %get3A_128, %dot_general3A_156 {dimension_numbers = #tpu.dot_dimension_numbers<[1], [0], [0], [1], [0, 0, 1, 1], [], []>, transpose_lhs_hint = false} : vector<1024x32xbf16>, vector<32x384xbf16>, vector<1024x384xf32> -> vector<1024x384xf32>
    %slice3A_158 = vector.extract_strided_slice %convert_element_type3A_136 {offsets = [0, 18], sizes = [1024, 9], strides = [1, 1]} : vector<1024x384xbf16> to vector<1024x9xbf16>
    %dot_general3A_159 = arith.constant dense<0.000000e+00> : vector<1024x384xf32>
    %dot_general3A_160 = tpu.matmul %slice3A_158, %get3A_125, %dot_general3A_159 {dimension_numbers = #tpu.dot_dimension_numbers<[1], [0], [0], [1], [0, 0, 1, 1], [], []>, transpose_lhs_hint = false} : vector<1024x9xbf16>, vector<9x384xbf16>, vector<1024x384xf32> -> vector<1024x384xf32>
    %mul3A_161 = arith.mulf %dot_general3A_157, %dot_general3A_160 : vector<1024x384xf32>
    %add3A_162 = arith.addf %add3A_154, %mul3A_161 : vector<1024x384xf32>
    %slice3A_163 = vector.extract_strided_slice %convert_element_type3A_132 {offsets = [0, 96], sizes = [1024, 32], strides = [1, 1]} : vector<1024x1024xbf16> to vector<1024x32xbf16>
    %dot_general3A_164 = arith.constant dense<0.000000e+00> : vector<1024x384xf32>
    %dot_general3A_165 = tpu.matmul %slice3A_163, %get3A_128, %dot_general3A_164 {dimension_numbers = #tpu.dot_dimension_numbers<[1], [0], [0], [1], [0, 0, 1, 1], [], []>, transpose_lhs_hint = false} : vector<1024x32xbf16>, vector<32x384xbf16>, vector<1024x384xf32> -> vector<1024x384xf32>
    %slice3A_166 = vector.extract_strided_slice %convert_element_type3A_136 {offsets = [0, 27], sizes = [1024, 9], strides = [1, 1]} : vector<1024x384xbf16> to vector<1024x9xbf16>
    %dot_general3A_167 = arith.constant dense<0.000000e+00> : vector<1024x384xf32>
    %dot_general3A_168 = tpu.matmul %slice3A_166, %get3A_125, %dot_general3A_167 {dimension_numbers = #tpu.dot_dimension_numbers<[1], [0], [0], [1], [0, 0, 1, 1], [], []>, transpose_lhs_hint = false} : vector<1024x9xbf16>, vector<9x384xbf16>, vector<1024x384xf32> -> vector<1024x384xf32>
    %mul3A_169 = arith.mulf %dot_general3A_165, %dot_general3A_168 : vector<1024x384xf32>
    %add3A_170 = arith.addf %add3A_162, %mul3A_169 : vector<1024x384xf32>
    %slice3A_171 = vector.extract_strided_slice %convert_element_type3A_132 {offsets = [0, 128], sizes = [1024, 32], strides = [1, 1]} : vector<1024x1024xbf16> to vector<1024x32xbf16>
    %dot_general3A_172 = arith.constant dense<0.000000e+00> : vector<1024x384xf32>
    %dot_general3A_173 = tpu.matmul %slice3A_171, %get3A_128, %dot_general3A_172 {dimension_numbers = #tpu.dot_dimension_numbers<[1], [0], [0], [1], [0, 0, 1, 1], [], []>, transpose_lhs_hint = false} : vector<1024x32xbf16>, vector<32x384xbf16>, vector<1024x384xf32> -> vector<1024x384xf32>
    %slice3A_174 = vector.extract_strided_slice %convert_element_type3A_136 {offsets = [0, 36], sizes = [1024, 9], strides = [1, 1]} : vector<1024x384xbf16> to vector<1024x9xbf16>
    %dot_general3A_175 = arith.constant dense<0.000000e+00> : vector<1024x384xf32>
    %dot_general3A_176 = tpu.matmul %slice3A_174, %get3A_125, %dot_general3A_175 {dimension_numbers = #tpu.dot_dimension_numbers<[1], [0], [0], [1], [0, 0, 1, 1], [], []>, transpose_lhs_hint = false} : vector<1024x9xbf16>, vector<9x384xbf16>, vector<1024x384xf32> -> vector<1024x384xf32>
    %mul3A_177 = arith.mulf %dot_general3A_173, %dot_general3A_176 : vector<1024x384xf32>
    %add3A_178 = arith.addf %add3A_170, %mul3A_177 : vector<1024x384xf32>
    %slice3A_179 = vector.extract_strided_slice %convert_element_type3A_132 {offsets = [0, 160], sizes = [1024, 32], strides = [1, 1]} : vector<1024x1024xbf16> to vector<1024x32xbf16>
    %dot_general3A_180 = arith.constant dense<0.000000e+00> : vector<1024x384xf32>
    %dot_general3A_181 = tpu.matmul %slice3A_179, %get3A_128, %dot_general3A_180 {dimension_numbers = #tpu.dot_dimension_numbers<[1], [0], [0], [1], [0, 0, 1, 1], [], []>, transpose_lhs_hint = false} : vector<1024x32xbf16>, vector<32x384xbf16>, vector<1024x384xf32> -> vector<1024x384xf32>
    %slice3A_182 = vector.extract_strided_slice %convert_element_type3A_136 {offsets = [0, 45], sizes = [1024, 9], strides = [1, 1]} : vector<1024x384xbf16> to vector<1024x9xbf16>
    %dot_general3A_183 = arith.constant dense<0.000000e+00> : vector<1024x384xf32>
    %dot_general3A_184 = tpu.matmul %slice3A_182, %get3A_125, %dot_general3A_183 {dimension_numbers = #tpu.dot_dimension_numbers<[1], [0], [0], [1], [0, 0, 1, 1], [], []>, transpose_lhs_hint = false} : vector<1024x9xbf16>, vector<9x384xbf16>, vector<1024x384xf32> -> vector<1024x384xf32>
    %mul3A_185 = arith.mulf %dot_general3A_181, %dot_general3A_184 : vector<1024x384xf32>
    %add3A_186 = arith.addf %add3A_178, %mul3A_185 : vector<1024x384xf32>
    %slice3A_187 = vector.extract_strided_slice %convert_element_type3A_132 {offsets = [0, 192], sizes = [1024, 32], strides = [1, 1]} : vector<1024x1024xbf16> to vector<1024x32xbf16>
    %dot_general3A_188 = arith.constant dense<0.000000e+00> : vector<1024x384xf32>
    %dot_general3A_189 = tpu.matmul %slice3A_187, %get3A_128, %dot_general3A_188 {dimension_numbers = #tpu.dot_dimension_numbers<[1], [0], [0], [1], [0, 0, 1, 1], [], []>, transpose_lhs_hint = false} : vector<1024x32xbf16>, vector<32x384xbf16>, vector<1024x384xf32> -> vector<1024x384xf32>
    %slice3A_190 = vector.extract_strided_slice %convert_element_type3A_136 {offsets = [0, 54], sizes = [1024, 9], strides = [1, 1]} : vector<1024x384xbf16> to vector<1024x9xbf16>
    %dot_general3A_191 = arith.constant dense<0.000000e+00> : vector<1024x384xf32>
    %dot_general3A_192 = tpu.matmul %slice3A_190, %get3A_125, %dot_general3A_191 {dimension_numbers = #tpu.dot_dimension_numbers<[1], [0], [0], [1], [0, 0, 1, 1], [], []>, transpose_lhs_hint = false} : vector<1024x9xbf16>, vector<9x384xbf16>, vector<1024x384xf32> -> vector<1024x384xf32>
    %mul3A_193 = arith.mulf %dot_general3A_189, %dot_general3A_192 : vector<1024x384xf32>
    %add3A_194 = arith.addf %add3A_186, %mul3A_193 : vector<1024x384xf32>
    %slice3A_195 = vector.extract_strided_slice %convert_element_type3A_132 {offsets = [0, 224], sizes = [1024, 32], strides = [1, 1]} : vector<1024x1024xbf16> to vector<1024x32xbf16>
    %dot_general3A_196 = arith.constant dense<0.000000e+00> : vector<1024x384xf32>
    %dot_general3A_197 = tpu.matmul %slice3A_195, %get3A_128, %dot_general3A_196 {dimension_numbers = #tpu.dot_dimension_numbers<[1], [0], [0], [1], [0, 0, 1, 1], [], []>, transpose_lhs_hint = false} : vector<1024x32xbf16>, vector<32x384xbf16>, vector<1024x384xf32> -> vector<1024x384xf32>
    %slice3A_198 = vector.extract_strided_slice %convert_element_type3A_136 {offsets = [0, 63], sizes = [1024, 9], strides = [1, 1]} : vector<1024x384xbf16> to vector<1024x9xbf16>
    %dot_general3A_199 = arith.constant dense<0.000000e+00> : vector<1024x384xf32>
    %dot_general3A_200 = tpu.matmul %slice3A_198, %get3A_125, %dot_general3A_199 {dimension_numbers = #tpu.dot_dimension_numbers<[1], [0], [0], [1], [0, 0, 1, 1], [], []>, transpose_lhs_hint = false} : vector<1024x9xbf16>, vector<9x384xbf16>, vector<1024x384xf32> -> vector<1024x384xf32>
    %mul3A_201 = arith.mulf %dot_general3A_197, %dot_general3A_200 : vector<1024x384xf32>
    %add3A_202 = arith.addf %add3A_194, %mul3A_201 : vector<1024x384xf32>
    %slice3A_203 = vector.extract_strided_slice %convert_element_type3A_132 {offsets = [0, 256], sizes = [1024, 32], strides = [1, 1]} : vector<1024x1024xbf16> to vector<1024x32xbf16>
    %dot_general3A_204 = arith.constant dense<0.000000e+00> : vector<1024x384xf32>
    %dot_general3A_205 = tpu.matmul %slice3A_203, %get3A_128, %dot_general3A_204 {dimension_numbers = #tpu.dot_dimension_numbers<[1], [0], [0], [1], [0, 0, 1, 1], [], []>, transpose_lhs_hint = false} : vector<1024x32xbf16>, vector<32x384xbf16>, vector<1024x384xf32> -> vector<1024x384xf32>
    %slice3A_206 = vector.extract_strided_slice %convert_element_type3A_136 {offsets = [0, 72], sizes = [1024, 9], strides = [1, 1]} : vector<1024x384xbf16> to vector<1024x9xbf16>
    %dot_general3A_207 = arith.constant dense<0.000000e+00> : vector<1024x384xf32>
    %dot_general3A_208 = tpu.matmul %slice3A_206, %get3A_125, %dot_general3A_207 {dimension_numbers = #tpu.dot_dimension_numbers<[1], [0], [0], [1], [0, 0, 1, 1], [], []>, transpose_lhs_hint = false} : vector<1024x9xbf16>, vector<9x384xbf16>, vector<1024x384xf32> -> vector<1024x384xf32>
    %mul3A_209 = arith.mulf %dot_general3A_205, %dot_general3A_208 : vector<1024x384xf32>
    %add3A_210 = arith.addf %add3A_202, %mul3A_209 : vector<1024x384xf32>
    %slice3A_211 = vector.extract_strided_slice %convert_element_type3A_132 {offsets = [0, 288], sizes = [1024, 32], strides = [1, 1]} : vector<1024x1024xbf16> to vector<1024x32xbf16>
    %dot_general3A_212 = arith.constant dense<0.000000e+00> : vector<1024x384xf32>
    %dot_general3A_213 = tpu.matmul %slice3A_211, %get3A_128, %dot_general3A_212 {dimension_numbers = #tpu.dot_dimension_numbers<[1], [0], [0], [1], [0, 0, 1, 1], [], []>, transpose_lhs_hint = false} : vector<1024x32xbf16>, vector<32x384xbf16>, vector<1024x384xf32> -> vector<1024x384xf32>
    %slice3A_214 = vector.extract_strided_slice %convert_element_type3A_136 {offsets = [0, 81], sizes = [1024, 9], strides = [1, 1]} : vector<1024x384xbf16> to vector<1024x9xbf16>
    %dot_general3A_215 = arith.constant dense<0.000000e+00> : vector<1024x384xf32>
    %dot_general3A_216 = tpu.matmul %slice3A_214, %get3A_125, %dot_general3A_215 {dimension_numbers = #tpu.dot_dimension_numbers<[1], [0], [0], [1], [0, 0, 1, 1], [], []>, transpose_lhs_hint = false} : vector<1024x9xbf16>, vector<9x384xbf16>, vector<1024x384xf32> -> vector<1024x384xf32>
    %mul3A_217 = arith.mulf %dot_general3A_213, %dot_general3A_216 : vector<1024x384xf32>
    %add3A_218 = arith.addf %add3A_210, %mul3A_217 : vector<1024x384xf32>
    %slice3A_219 = vector.extract_strided_slice %convert_element_type3A_132 {offsets = [0, 320], sizes = [1024, 32], strides = [1, 1]} : vector<1024x1024xbf16> to vector<1024x32xbf16>
    %dot_general3A_220 = arith.constant dense<0.000000e+00> : vector<1024x384xf32>
    %dot_general3A_221 = tpu.matmul %slice3A_219, %get3A_128, %dot_general3A_220 {dimension_numbers = #tpu.dot_dimension_numbers<[1], [0], [0], [1], [0, 0, 1, 1], [], []>, transpose_lhs_hint = false} : vector<1024x32xbf16>, vector<32x384xbf16>, vector<1024x384xf32> -> vector<1024x384xf32>
    %slice3A_222 = vector.extract_strided_slice %convert_element_type3A_136 {offsets = [0, 90], sizes = [1024, 9], strides = [1, 1]} : vector<1024x384xbf16> to vector<1024x9xbf16>
    %dot_general3A_223 = arith.constant dense<0.000000e+00> : vector<1024x384xf32>
    %dot_general3A_224 = tpu.matmul %slice3A_222, %get3A_125, %dot_general3A_223 {dimension_numbers = #tpu.dot_dimension_numbers<[1], [0], [0], [1], [0, 0, 1, 1], [], []>, transpose_lhs_hint = false} : vector<1024x9xbf16>, vector<9x384xbf16>, vector<1024x384xf32> -> vector<1024x384xf32>
    %mul3A_225 = arith.mulf %dot_general3A_221, %dot_general3A_224 : vector<1024x384xf32>
    %add3A_226 = arith.addf %add3A_218, %mul3A_225 : vector<1024x384xf32>
    %slice3A_227 = vector.extract_strided_slice %convert_element_type3A_132 {offsets = [0, 352], sizes = [1024, 32], strides = [1, 1]} : vector<1024x1024xbf16> to vector<1024x32xbf16>
    %dot_general3A_228 = arith.constant dense<0.000000e+00> : vector<1024x384xf32>
    %dot_general3A_229 = tpu.matmul %slice3A_227, %get3A_128, %dot_general3A_228 {dimension_numbers = #tpu.dot_dimension_numbers<[1], [0], [0], [1], [0, 0, 1, 1], [], []>, transpose_lhs_hint = false} : vector<1024x32xbf16>, vector<32x384xbf16>, vector<1024x384xf32> -> vector<1024x384xf32>
    %slice3A_230 = vector.extract_strided_slice %convert_element_type3A_136 {offsets = [0, 99], sizes = [1024, 9], strides = [1, 1]} : vector<1024x384xbf16> to vector<1024x9xbf16>
    %dot_general3A_231 = arith.constant dense<0.000000e+00> : vector<1024x384xf32>
    %dot_general3A_232 = tpu.matmul %slice3A_230, %get3A_125, %dot_general3A_231 {dimension_numbers = #tpu.dot_dimension_numbers<[1], [0], [0], [1], [0, 0, 1, 1], [], []>, transpose_lhs_hint = false} : vector<1024x9xbf16>, vector<9x384xbf16>, vector<1024x384xf32> -> vector<1024x384xf32>
    %mul3A_233 = arith.mulf %dot_general3A_229, %dot_general3A_232 : vector<1024x384xf32>
    %add3A_234 = arith.addf %add3A_226, %mul3A_233 : vector<1024x384xf32>
    %slice3A_235 = vector.extract_strided_slice %convert_element_type3A_132 {offsets = [0, 384], sizes = [1024, 32], strides = [1, 1]} : vector<1024x1024xbf16> to vector<1024x32xbf16>
    %dot_general3A_236 = arith.constant dense<0.000000e+00> : vector<1024x384xf32>
    %dot_general3A_237 = tpu.matmul %slice3A_235, %get3A_128, %dot_general3A_236 {dimension_numbers = #tpu.dot_dimension_numbers<[1], [0], [0], [1], [0, 0, 1, 1], [], []>, transpose_lhs_hint = false} : vector<1024x32xbf16>, vector<32x384xbf16>, vector<1024x384xf32> -> vector<1024x384xf32>
    %slice3A_238 = vector.extract_strided_slice %convert_element_type3A_136 {offsets = [0, 108], sizes = [1024, 9], strides = [1, 1]} : vector<1024x384xbf16> to vector<1024x9xbf16>
    %dot_general3A_239 = arith.constant dense<0.000000e+00> : vector<1024x384xf32>
    %dot_general3A_240 = tpu.matmul %slice3A_238, %get3A_125, %dot_general3A_239 {dimension_numbers = #tpu.dot_dimension_numbers<[1], [0], [0], [1], [0, 0, 1, 1], [], []>, transpose_lhs_hint = false} : vector<1024x9xbf16>, vector<9x384xbf16>, vector<1024x384xf32> -> vector<1024x384xf32>
    %mul3A_241 = arith.mulf %dot_general3A_237, %dot_general3A_240 : vector<1024x384xf32>
    %add3A_242 = arith.addf %add3A_234, %mul3A_241 : vector<1024x384xf32>
    %slice3A_243 = vector.extract_strided_slice %convert_element_type3A_132 {offsets = [0, 416], sizes = [1024, 32], strides = [1, 1]} : vector<1024x1024xbf16> to vector<1024x32xbf16>
    %dot_general3A_244 = arith.constant dense<0.000000e+00> : vector<1024x384xf32>
    %dot_general3A_245 = tpu.matmul %slice3A_243, %get3A_128, %dot_general3A_244 {dimension_numbers = #tpu.dot_dimension_numbers<[1], [0], [0], [1], [0, 0, 1, 1], [], []>, transpose_lhs_hint = false} : vector<1024x32xbf16>, vector<32x384xbf16>, vector<1024x384xf32> -> vector<1024x384xf32>
    %slice3A_246 = vector.extract_strided_slice %convert_element_type3A_136 {offsets = [0, 117], sizes = [1024, 9], strides = [1, 1]} : vector<1024x384xbf16> to vector<1024x9xbf16>
    %dot_general3A_247 = arith.constant dense<0.000000e+00> : vector<1024x384xf32>
    %dot_general3A_248 = tpu.matmul %slice3A_246, %get3A_125, %dot_general3A_247 {dimension_numbers = #tpu.dot_dimension_numbers<[1], [0], [0], [1], [0, 0, 1, 1], [], []>, transpose_lhs_hint = false} : vector<1024x9xbf16>, vector<9x384xbf16>, vector<1024x384xf32> -> vector<1024x384xf32>
    %mul3A_249 = arith.mulf %dot_general3A_245, %dot_general3A_248 : vector<1024x384xf32>
    %add3A_250 = arith.addf %add3A_242, %mul3A_249 : vector<1024x384xf32>
    %slice3A_251 = vector.extract_strided_slice %convert_element_type3A_132 {offsets = [0, 448], sizes = [1024, 32], strides = [1, 1]} : vector<1024x1024xbf16> to vector<1024x32xbf16>
    %dot_general3A_252 = arith.constant dense<0.000000e+00> : vector<1024x384xf32>
    %dot_general3A_253 = tpu.matmul %slice3A_251, %get3A_128, %dot_general3A_252 {dimension_numbers = #tpu.dot_dimension_numbers<[1], [0], [0], [1], [0, 0, 1, 1], [], []>, transpose_lhs_hint = false} : vector<1024x32xbf16>, vector<32x384xbf16>, vector<1024x384xf32> -> vector<1024x384xf32>
    %slice3A_254 = vector.extract_strided_slice %convert_element_type3A_136 {offsets = [0, 126], sizes = [1024, 9], strides = [1, 1]} : vector<1024x384xbf16> to vector<1024x9xbf16>
    %dot_general3A_255 = arith.constant dense<0.000000e+00> : vector<1024x384xf32>
    %dot_general3A_256 = tpu.matmul %slice3A_254, %get3A_125, %dot_general3A_255 {dimension_numbers = #tpu.dot_dimension_numbers<[1], [0], [0], [1], [0, 0, 1, 1], [], []>, transpose_lhs_hint = false} : vector<1024x9xbf16>, vector<9x384xbf16>, vector<1024x384xf32> -> vector<1024x384xf32>
    %mul3A_257 = arith.mulf %dot_general3A_253, %dot_general3A_256 : vector<1024x384xf32>
    %add3A_258 = arith.addf %add3A_250, %mul3A_257 : vector<1024x384xf32>
    %slice3A_259 = vector.extract_strided_slice %convert_element_type3A_132 {offsets = [0, 480], sizes = [1024, 32], strides = [1, 1]} : vector<1024x1024xbf16> to vector<1024x32xbf16>
    %dot_general3A_260 = arith.constant dense<0.000000e+00> : vector<1024x384xf32>
    %dot_general3A_261 = tpu.matmul %slice3A_259, %get3A_128, %dot_general3A_260 {dimension_numbers = #tpu.dot_dimension_numbers<[1], [0], [0], [1], [0, 0, 1, 1], [], []>, transpose_lhs_hint = false} : vector<1024x32xbf16>, vector<32x384xbf16>, vector<1024x384xf32> -> vector<1024x384xf32>
    %slice3A_262 = vector.extract_strided_slice %convert_element_type3A_136 {offsets = [0, 135], sizes = [1024, 9], strides = [1, 1]} : vector<1024x384xbf16> to vector<1024x9xbf16>
    %dot_general3A_263 = arith.constant dense<0.000000e+00> : vector<1024x384xf32>
    %dot_general3A_264 = tpu.matmul %slice3A_262, %get3A_125, %dot_general3A_263 {dimension_numbers = #tpu.dot_dimension_numbers<[1], [0], [0], [1], [0, 0, 1, 1], [], []>, transpose_lhs_hint = false} : vector<1024x9xbf16>, vector<9x384xbf16>, vector<1024x384xf32> -> vector<1024x384xf32>
    %mul3A_265 = arith.mulf %dot_general3A_261, %dot_general3A_264 : vector<1024x384xf32>
    %add3A_266 = arith.addf %add3A_258, %mul3A_265 : vector<1024x384xf32>
    %slice3A_267 = vector.extract_strided_slice %convert_element_type3A_132 {offsets = [0, 512], sizes = [1024, 32], strides = [1, 1]} : vector<1024x1024xbf16> to vector<1024x32xbf16>
    %dot_general3A_268 = arith.constant dense<0.000000e+00> : vector<1024x384xf32>
    %dot_general3A_269 = tpu.matmul %slice3A_267, %get3A_128, %dot_general3A_268 {dimension_numbers = #tpu.dot_dimension_numbers<[1], [0], [0], [1], [0, 0, 1, 1], [], []>, transpose_lhs_hint = false} : vector<1024x32xbf16>, vector<32x384xbf16>, vector<1024x384xf32> -> vector<1024x384xf32>
    %slice3A_270 = vector.extract_strided_slice %convert_element_type3A_136 {offsets = [0, 144], sizes = [1024, 9], strides = [1, 1]} : vector<1024x384xbf16> to vector<1024x9xbf16>
    %dot_general3A_271 = arith.constant dense<0.000000e+00> : vector<1024x384xf32>
    %dot_general3A_272 = tpu.matmul %slice3A_270, %get3A_125, %dot_general3A_271 {dimension_numbers = #tpu.dot_dimension_numbers<[1], [0], [0], [1], [0, 0, 1, 1], [], []>, transpose_lhs_hint = false} : vector<1024x9xbf16>, vector<9x384xbf16>, vector<1024x384xf32> -> vector<1024x384xf32>
    %mul3A_273 = arith.mulf %dot_general3A_269, %dot_general3A_272 : vector<1024x384xf32>
    %add3A_274 = arith.addf %add3A_266, %mul3A_273 : vector<1024x384xf32>
    %slice3A_275 = vector.extract_strided_slice %convert_element_type3A_132 {offsets = [0, 544], sizes = [1024, 32], strides = [1, 1]} : vector<1024x1024xbf16> to vector<1024x32xbf16>
    %dot_general3A_276 = arith.constant dense<0.000000e+00> : vector<1024x384xf32>
    %dot_general3A_277 = tpu.matmul %slice3A_275, %get3A_128, %dot_general3A_276 {dimension_numbers = #tpu.dot_dimension_numbers<[1], [0], [0], [1], [0, 0, 1, 1], [], []>, transpose_lhs_hint = false} : vector<1024x32xbf16>, vector<32x384xbf16>, vector<1024x384xf32> -> vector<1024x384xf32>
    %slice3A_278 = vector.extract_strided_slice %convert_element_type3A_136 {offsets = [0, 153], sizes = [1024, 9], strides = [1, 1]} : vector<1024x384xbf16> to vector<1024x9xbf16>
    %dot_general3A_279 = arith.constant dense<0.000000e+00> : vector<1024x384xf32>
    %dot_general3A_280 = tpu.matmul %slice3A_278, %get3A_125, %dot_general3A_279 {dimension_numbers = #tpu.dot_dimension_numbers<[1], [0], [0], [1], [0, 0, 1, 1], [], []>, transpose_lhs_hint = false} : vector<1024x9xbf16>, vector<9x384xbf16>, vector<1024x384xf32> -> vector<1024x384xf32>
    %mul3A_281 = arith.mulf %dot_general3A_277, %dot_general3A_280 : vector<1024x384xf32>
    %add3A_282 = arith.addf %add3A_274, %mul3A_281 : vector<1024x384xf32>
    %slice3A_283 = vector.extract_strided_slice %convert_element_type3A_132 {offsets = [0, 576], sizes = [1024, 32], strides = [1, 1]} : vector<1024x1024xbf16> to vector<1024x32xbf16>
    %dot_general3A_284 = arith.constant dense<0.000000e+00> : vector<1024x384xf32>
    %dot_general3A_285 = tpu.matmul %slice3A_283, %get3A_128, %dot_general3A_284 {dimension_numbers = #tpu.dot_dimension_numbers<[1], [0], [0], [1], [0, 0, 1, 1], [], []>, transpose_lhs_hint = false} : vector<1024x32xbf16>, vector<32x384xbf16>, vector<1024x384xf32> -> vector<1024x384xf32>
    %slice3A_286 = vector.extract_strided_slice %convert_element_type3A_136 {offsets = [0, 162], sizes = [1024, 9], strides = [1, 1]} : vector<1024x384xbf16> to vector<1024x9xbf16>
    %dot_general3A_287 = arith.constant dense<0.000000e+00> : vector<1024x384xf32>
    %dot_general3A_288 = tpu.matmul %slice3A_286, %get3A_125, %dot_general3A_287 {dimension_numbers = #tpu.dot_dimension_numbers<[1], [0], [0], [1], [0, 0, 1, 1], [], []>, transpose_lhs_hint = false} : vector<1024x9xbf16>, vector<9x384xbf16>, vector<1024x384xf32> -> vector<1024x384xf32>
    %mul3A_289 = arith.mulf %dot_general3A_285, %dot_general3A_288 : vector<1024x384xf32>
    %add3A_290 = arith.addf %add3A_282, %mul3A_289 : vector<1024x384xf32>
    %slice3A_291 = vector.extract_strided_slice %convert_element_type3A_132 {offsets = [0, 608], sizes = [1024, 32], strides = [1, 1]} : vector<1024x1024xbf16> to vector<1024x32xbf16>
    %dot_general3A_292 = arith.constant dense<0.000000e+00> : vector<1024x384xf32>
    %dot_general3A_293 = tpu.matmul %slice3A_291, %get3A_128, %dot_general3A_292 {dimension_numbers = #tpu.dot_dimension_numbers<[1], [0], [0], [1], [0, 0, 1, 1], [], []>, transpose_lhs_hint = false} : vector<1024x32xbf16>, vector<32x384xbf16>, vector<1024x384xf32> -> vector<1024x384xf32>
    %slice3A_294 = vector.extract_strided_slice %convert_element_type3A_136 {offsets = [0, 171], sizes = [1024, 9], strides = [1, 1]} : vector<1024x384xbf16> to vector<1024x9xbf16>
    %dot_general3A_295 = arith.constant dense<0.000000e+00> : vector<1024x384xf32>
    %dot_general3A_296 = tpu.matmul %slice3A_294, %get3A_125, %dot_general3A_295 {dimension_numbers = #tpu.dot_dimension_numbers<[1], [0], [0], [1], [0, 0, 1, 1], [], []>, transpose_lhs_hint = false} : vector<1024x9xbf16>, vector<9x384xbf16>, vector<1024x384xf32> -> vector<1024x384xf32>
    %mul3A_297 = arith.mulf %dot_general3A_293, %dot_general3A_296 : vector<1024x384xf32>
    %add3A_298 = arith.addf %add3A_290, %mul3A_297 : vector<1024x384xf32>
    %slice3A_299 = vector.extract_strided_slice %convert_element_type3A_132 {offsets = [0, 640], sizes = [1024, 32], strides = [1, 1]} : vector<1024x1024xbf16> to vector<1024x32xbf16>
    %dot_general3A_300 = arith.constant dense<0.000000e+00> : vector<1024x384xf32>
    %dot_general3A_301 = tpu.matmul %slice3A_299, %get3A_128, %dot_general3A_300 {dimension_numbers = #tpu.dot_dimension_numbers<[1], [0], [0], [1], [0, 0, 1, 1], [], []>, transpose_lhs_hint = false} : vector<1024x32xbf16>, vector<32x384xbf16>, vector<1024x384xf32> -> vector<1024x384xf32>
    %slice3A_302 = vector.extract_strided_slice %convert_element_type3A_136 {offsets = [0, 180], sizes = [1024, 9], strides = [1, 1]} : vector<1024x384xbf16> to vector<1024x9xbf16>
    %dot_general3A_303 = arith.constant dense<0.000000e+00> : vector<1024x384xf32>
    %dot_general3A_304 = tpu.matmul %slice3A_302, %get3A_125, %dot_general3A_303 {dimension_numbers = #tpu.dot_dimension_numbers<[1], [0], [0], [1], [0, 0, 1, 1], [], []>, transpose_lhs_hint = false} : vector<1024x9xbf16>, vector<9x384xbf16>, vector<1024x384xf32> -> vector<1024x384xf32>
    %mul3A_305 = arith.mulf %dot_general3A_301, %dot_general3A_304 : vector<1024x384xf32>
    %add3A_306 = arith.addf %add3A_298, %mul3A_305 : vector<1024x384xf32>
    %slice3A_307 = vector.extract_strided_slice %convert_element_type3A_132 {offsets = [0, 672], sizes = [1024, 32], strides = [1, 1]} : vector<1024x1024xbf16> to vector<1024x32xbf16>
    %dot_general3A_308 = arith.constant dense<0.000000e+00> : vector<1024x384xf32>
    %dot_general3A_309 = tpu.matmul %slice3A_307, %get3A_128, %dot_general3A_308 {dimension_numbers = #tpu.dot_dimension_numbers<[1], [0], [0], [1], [0, 0, 1, 1], [], []>, transpose_lhs_hint = false} : vector<1024x32xbf16>, vector<32x384xbf16>, vector<1024x384xf32> -> vector<1024x384xf32>
    %slice3A_310 = vector.extract_strided_slice %convert_element_type3A_136 {offsets = [0, 189], sizes = [1024, 9], strides = [1, 1]} : vector<1024x384xbf16> to vector<1024x9xbf16>
    %dot_general3A_311 = arith.constant dense<0.000000e+00> : vector<1024x384xf32>
    %dot_general3A_312 = tpu.matmul %slice3A_310, %get3A_125, %dot_general3A_311 {dimension_numbers = #tpu.dot_dimension_numbers<[1], [0], [0], [1], [0, 0, 1, 1], [], []>, transpose_lhs_hint = false} : vector<1024x9xbf16>, vector<9x384xbf16>, vector<1024x384xf32> -> vector<1024x384xf32>
    %mul3A_313 = arith.mulf %dot_general3A_309, %dot_general3A_312 : vector<1024x384xf32>
    %add3A_314 = arith.addf %add3A_306, %mul3A_313 : vector<1024x384xf32>
    %slice3A_315 = vector.extract_strided_slice %convert_element_type3A_132 {offsets = [0, 704], sizes = [1024, 32], strides = [1, 1]} : vector<1024x1024xbf16> to vector<1024x32xbf16>
    %dot_general3A_316 = arith.constant dense<0.000000e+00> : vector<1024x384xf32>
    %dot_general3A_317 = tpu.matmul %slice3A_315, %get3A_128, %dot_general3A_316 {dimension_numbers = #tpu.dot_dimension_numbers<[1], [0], [0], [1], [0, 0, 1, 1], [], []>, transpose_lhs_hint = false} : vector<1024x32xbf16>, vector<32x384xbf16>, vector<1024x384xf32> -> vector<1024x384xf32>
    %slice3A_318 = vector.extract_strided_slice %convert_element_type3A_136 {offsets = [0, 198], sizes = [1024, 9], strides = [1, 1]} : vector<1024x384xbf16> to vector<1024x9xbf16>
    %dot_general3A_319 = arith.constant dense<0.000000e+00> : vector<1024x384xf32>
    %dot_general3A_320 = tpu.matmul %slice3A_318, %get3A_125, %dot_general3A_319 {dimension_numbers = #tpu.dot_dimension_numbers<[1], [0], [0], [1], [0, 0, 1, 1], [], []>, transpose_lhs_hint = false} : vector<1024x9xbf16>, vector<9x384xbf16>, vector<1024x384xf32> -> vector<1024x384xf32>
    %mul3A_321 = arith.mulf %dot_general3A_317, %dot_general3A_320 : vector<1024x384xf32>
    %add3A_322 = arith.addf %add3A_314, %mul3A_321 : vector<1024x384xf32>
    %slice3A_323 = vector.extract_strided_slice %convert_element_type3A_132 {offsets = [0, 736], sizes = [1024, 32], strides = [1, 1]} : vector<1024x1024xbf16> to vector<1024x32xbf16>
    %dot_general3A_324 = arith.constant dense<0.000000e+00> : vector<1024x384xf32>
    %dot_general3A_325 = tpu.matmul %slice3A_323, %get3A_128, %dot_general3A_324 {dimension_numbers = #tpu.dot_dimension_numbers<[1], [0], [0], [1], [0, 0, 1, 1], [], []>, transpose_lhs_hint = false} : vector<1024x32xbf16>, vector<32x384xbf16>, vector<1024x384xf32> -> vector<1024x384xf32>
    %slice3A_326 = vector.extract_strided_slice %convert_element_type3A_136 {offsets = [0, 207], sizes = [1024, 9], strides = [1, 1]} : vector<1024x384xbf16> to vector<1024x9xbf16>
    %dot_general3A_327 = arith.constant dense<0.000000e+00> : vector<1024x384xf32>
    %dot_general3A_328 = tpu.matmul %slice3A_326, %get3A_125, %dot_general3A_327 {dimension_numbers = #tpu.dot_dimension_numbers<[1], [0], [0], [1], [0, 0, 1, 1], [], []>, transpose_lhs_hint = false} : vector<1024x9xbf16>, vector<9x384xbf16>, vector<1024x384xf32> -> vector<1024x384xf32>
    %mul3A_329 = arith.mulf %dot_general3A_325, %dot_general3A_328 : vector<1024x384xf32>
    %add3A_330 = arith.addf %add3A_322, %mul3A_329 : vector<1024x384xf32>
    %slice3A_331 = vector.extract_strided_slice %convert_element_type3A_132 {offsets = [0, 768], sizes = [1024, 32], strides = [1, 1]} : vector<1024x1024xbf16> to vector<1024x32xbf16>
    %dot_general3A_332 = arith.constant dense<0.000000e+00> : vector<1024x384xf32>
    %dot_general3A_333 = tpu.matmul %slice3A_331, %get3A_128, %dot_general3A_332 {dimension_numbers = #tpu.dot_dimension_numbers<[1], [0], [0], [1], [0, 0, 1, 1], [], []>, transpose_lhs_hint = false} : vector<1024x32xbf16>, vector<32x384xbf16>, vector<1024x384xf32> -> vector<1024x384xf32>
    %slice3A_334 = vector.extract_strided_slice %convert_element_type3A_136 {offsets = [0, 216], sizes = [1024, 9], strides = [1, 1]} : vector<1024x384xbf16> to vector<1024x9xbf16>
    %dot_general3A_335 = arith.constant dense<0.000000e+00> : vector<1024x384xf32>
    %dot_general3A_336 = tpu.matmul %slice3A_334, %get3A_125, %dot_general3A_335 {dimension_numbers = #tpu.dot_dimension_numbers<[1], [0], [0], [1], [0, 0, 1, 1], [], []>, transpose_lhs_hint = false} : vector<1024x9xbf16>, vector<9x384xbf16>, vector<1024x384xf32> -> vector<1024x384xf32>
    %mul3A_337 = arith.mulf %dot_general3A_333, %dot_general3A_336 : vector<1024x384xf32>
    %add3A_338 = arith.addf %add3A_330, %mul3A_337 : vector<1024x384xf32>
    %slice3A_339 = vector.extract_strided_slice %convert_element_type3A_132 {offsets = [0, 800], sizes = [1024, 32], strides = [1, 1]} : vector<1024x1024xbf16> to vector<1024x32xbf16>
    %dot_general3A_340 = arith.constant dense<0.000000e+00> : vector<1024x384xf32>
    %dot_general3A_341 = tpu.matmul %slice3A_339, %get3A_128, %dot_general3A_340 {dimension_numbers = #tpu.dot_dimension_numbers<[1], [0], [0], [1], [0, 0, 1, 1], [], []>, transpose_lhs_hint = false} : vector<1024x32xbf16>, vector<32x384xbf16>, vector<1024x384xf32> -> vector<1024x384xf32>
    %slice3A_342 = vector.extract_strided_slice %convert_element_type3A_136 {offsets = [0, 225], sizes = [1024, 9], strides = [1, 1]} : vector<1024x384xbf16> to vector<1024x9xbf16>
    %dot_general3A_343 = arith.constant dense<0.000000e+00> : vector<1024x384xf32>
    %dot_general3A_344 = tpu.matmul %slice3A_342, %get3A_125, %dot_general3A_343 {dimension_numbers = #tpu.dot_dimension_numbers<[1], [0], [0], [1], [0, 0, 1, 1], [], []>, transpose_lhs_hint = false} : vector<1024x9xbf16>, vector<9x384xbf16>, vector<1024x384xf32> -> vector<1024x384xf32>
    %mul3A_345 = arith.mulf %dot_general3A_341, %dot_general3A_344 : vector<1024x384xf32>
    %add3A_346 = arith.addf %add3A_338, %mul3A_345 : vector<1024x384xf32>
    %slice3A_347 = vector.extract_strided_slice %convert_element_type3A_132 {offsets = [0, 832], sizes = [1024, 32], strides = [1, 1]} : vector<1024x1024xbf16> to vector<1024x32xbf16>
    %dot_general3A_348 = arith.constant dense<0.000000e+00> : vector<1024x384xf32>
    %dot_general3A_349 = tpu.matmul %slice3A_347, %get3A_128, %dot_general3A_348 {dimension_numbers = #tpu.dot_dimension_numbers<[1], [0], [0], [1], [0, 0, 1, 1], [], []>, transpose_lhs_hint = false} : vector<1024x32xbf16>, vector<32x384xbf16>, vector<1024x384xf32> -> vector<1024x384xf32>
    %slice3A_350 = vector.extract_strided_slice %convert_element_type3A_136 {offsets = [0, 234], sizes = [1024, 9], strides = [1, 1]} : vector<1024x384xbf16> to vector<1024x9xbf16>
    %dot_general3A_351 = arith.constant dense<0.000000e+00> : vector<1024x384xf32>
    %dot_general3A_352 = tpu.matmul %slice3A_350, %get3A_125, %dot_general3A_351 {dimension_numbers = #tpu.dot_dimension_numbers<[1], [0], [0], [1], [0, 0, 1, 1], [], []>, transpose_lhs_hint = false} : vector<1024x9xbf16>, vector<9x384xbf16>, vector<1024x384xf32> -> vector<1024x384xf32>
    %mul3A_353 = arith.mulf %dot_general3A_349, %dot_general3A_352 : vector<1024x384xf32>
    %add3A_354 = arith.addf %add3A_346, %mul3A_353 : vector<1024x384xf32>
    %slice3A_355 = vector.extract_strided_slice %convert_element_type3A_132 {offsets = [0, 864], sizes = [1024, 32], strides = [1, 1]} : vector<1024x1024xbf16> to vector<1024x32xbf16>
    %dot_general3A_356 = arith.constant dense<0.000000e+00> : vector<1024x384xf32>
    %dot_general3A_357 = tpu.matmul %slice3A_355, %get3A_128, %dot_general3A_356 {dimension_numbers = #tpu.dot_dimension_numbers<[1], [0], [0], [1], [0, 0, 1, 1], [], []>, transpose_lhs_hint = false} : vector<1024x32xbf16>, vector<32x384xbf16>, vector<1024x384xf32> -> vector<1024x384xf32>
    %slice3A_358 = vector.extract_strided_slice %convert_element_type3A_136 {offsets = [0, 243], sizes = [1024, 9], strides = [1, 1]} : vector<1024x384xbf16> to vector<1024x9xbf16>
    %dot_general3A_359 = arith.constant dense<0.000000e+00> : vector<1024x384xf32>
    %dot_general3A_360 = tpu.matmul %slice3A_358, %get3A_125, %dot_general3A_359 {dimension_numbers = #tpu.dot_dimension_numbers<[1], [0], [0], [1], [0, 0, 1, 1], [], []>, transpose_lhs_hint = false} : vector<1024x9xbf16>, vector<9x384xbf16>, vector<1024x384xf32> -> vector<1024x384xf32>
    %mul3A_361 = arith.mulf %dot_general3A_357, %dot_general3A_360 : vector<1024x384xf32>
    %add3A_362 = arith.addf %add3A_354, %mul3A_361 : vector<1024x384xf32>
    %slice3A_363 = vector.extract_strided_slice %convert_element_type3A_132 {offsets = [0, 896], sizes = [1024, 32], strides = [1, 1]} : vector<1024x1024xbf16> to vector<1024x32xbf16>
    %dot_general3A_364 = arith.constant dense<0.000000e+00> : vector<1024x384xf32>
    %dot_general3A_365 = tpu.matmul %slice3A_363, %get3A_128, %dot_general3A_364 {dimension_numbers = #tpu.dot_dimension_numbers<[1], [0], [0], [1], [0, 0, 1, 1], [], []>, transpose_lhs_hint = false} : vector<1024x32xbf16>, vector<32x384xbf16>, vector<1024x384xf32> -> vector<1024x384xf32>
    %slice3A_366 = vector.extract_strided_slice %convert_element_type3A_136 {offsets = [0, 252], sizes = [1024, 9], strides = [1, 1]} : vector<1024x384xbf16> to vector<1024x9xbf16>
    %dot_general3A_367 = arith.constant dense<0.000000e+00> : vector<1024x384xf32>
    %dot_general3A_368 = tpu.matmul %slice3A_366, %get3A_125, %dot_general3A_367 {dimension_numbers = #tpu.dot_dimension_numbers<[1], [0], [0], [1], [0, 0, 1, 1], [], []>, transpose_lhs_hint = false} : vector<1024x9xbf16>, vector<9x384xbf16>, vector<1024x384xf32> -> vector<1024x384xf32>
    %mul3A_369 = arith.mulf %dot_general3A_365, %dot_general3A_368 : vector<1024x384xf32>
    %add3A_370 = arith.addf %add3A_362, %mul3A_369 : vector<1024x384xf32>
    %slice3A_371 = vector.extract_strided_slice %convert_element_type3A_132 {offsets = [0, 928], sizes = [1024, 32], strides = [1, 1]} : vector<1024x1024xbf16> to vector<1024x32xbf16>
    %dot_general3A_372 = arith.constant dense<0.000000e+00> : vector<1024x384xf32>
    %dot_general3A_373 = tpu.matmul %slice3A_371, %get3A_128, %dot_general3A_372 {dimension_numbers = #tpu.dot_dimension_numbers<[1], [0], [0], [1], [0, 0, 1, 1], [], []>, transpose_lhs_hint = false} : vector<1024x32xbf16>, vector<32x384xbf16>, vector<1024x384xf32> -> vector<1024x384xf32>
    %slice3A_374 = vector.extract_strided_slice %convert_element_type3A_136 {offsets = [0, 261], sizes = [1024, 9], strides = [1, 1]} : vector<1024x384xbf16> to vector<1024x9xbf16>
    %dot_general3A_375 = arith.constant dense<0.000000e+00> : vector<1024x384xf32>
    %dot_general3A_376 = tpu.matmul %slice3A_374, %get3A_125, %dot_general3A_375 {dimension_numbers = #tpu.dot_dimension_numbers<[1], [0], [0], [1], [0, 0, 1, 1], [], []>, transpose_lhs_hint = false} : vector<1024x9xbf16>, vector<9x384xbf16>, vector<1024x384xf32> -> vector<1024x384xf32>
    %mul3A_377 = arith.mulf %dot_general3A_373, %dot_general3A_376 : vector<1024x384xf32>
    %add3A_378 = arith.addf %add3A_370, %mul3A_377 : vector<1024x384xf32>
    %slice3A_379 = vector.extract_strided_slice %convert_element_type3A_132 {offsets = [0, 960], sizes = [1024, 32], strides = [1, 1]} : vector<1024x1024xbf16> to vector<1024x32xbf16>
    %dot_general3A_380 = arith.constant dense<0.000000e+00> : vector<1024x384xf32>
    %dot_general3A_381 = tpu.matmul %slice3A_379, %get3A_128, %dot_general3A_380 {dimension_numbers = #tpu.dot_dimension_numbers<[1], [0], [0], [1], [0, 0, 1, 1], [], []>, transpose_lhs_hint = false} : vector<1024x32xbf16>, vector<32x384xbf16>, vector<1024x384xf32> -> vector<1024x384xf32>
    %slice3A_382 = vector.extract_strided_slice %convert_element_type3A_136 {offsets = [0, 270], sizes = [1024, 9], strides = [1, 1]} : vector<1024x384xbf16> to vector<1024x9xbf16>
    %dot_general3A_383 = arith.constant dense<0.000000e+00> : vector<1024x384xf32>
    %dot_general3A_384 = tpu.matmul %slice3A_382, %get3A_125, %dot_general3A_383 {dimension_numbers = #tpu.dot_dimension_numbers<[1], [0], [0], [1], [0, 0, 1, 1], [], []>, transpose_lhs_hint = false} : vector<1024x9xbf16>, vector<9x384xbf16>, vector<1024x384xf32> -> vector<1024x384xf32>
    %mul3A_385 = arith.mulf %dot_general3A_381, %dot_general3A_384 : vector<1024x384xf32>
    %add3A_386 = arith.addf %add3A_378, %mul3A_385 : vector<1024x384xf32>
    %slice3A_387 = vector.extract_strided_slice %convert_element_type3A_132 {offsets = [0, 992], sizes = [1024, 32], strides = [1, 1]} : vector<1024x1024xbf16> to vector<1024x32xbf16>
    %dot_general3A_388 = arith.constant dense<0.000000e+00> : vector<1024x384xf32>
    %dot_general3A_389 = tpu.matmul %slice3A_387, %get3A_128, %dot_general3A_388 {dimension_numbers = #tpu.dot_dimension_numbers<[1], [0], [0], [1], [0, 0, 1, 1], [], []>, transpose_lhs_hint = false} : vector<1024x32xbf16>, vector<32x384xbf16>, vector<1024x384xf32> -> vector<1024x384xf32>
    %slice3A_390 = vector.extract_strided_slice %convert_element_type3A_136 {offsets = [0, 279], sizes = [1024, 9], strides = [1, 1]} : vector<1024x384xbf16> to vector<1024x9xbf16>
    %dot_general3A_391 = arith.constant dense<0.000000e+00> : vector<1024x384xf32>
    %dot_general3A_392 = tpu.matmul %slice3A_390, %get3A_125, %dot_general3A_391 {dimension_numbers = #tpu.dot_dimension_numbers<[1], [0], [0], [1], [0, 0, 1, 1], [], []>, transpose_lhs_hint = false} : vector<1024x9xbf16>, vector<9x384xbf16>, vector<1024x384xf32> -> vector<1024x384xf32>
    %mul3A_393 = arith.mulf %dot_general3A_389, %dot_general3A_392 : vector<1024x384xf32>
    %add3A_394 = arith.addf %add3A_386, %mul3A_393 : vector<1024x384xf32>
    %mul3A_395 = arith.mulf %add3A_394, %dot_general3A_131 : vector<1024x384xf32>
    %swap3A = arith.constant 0 : index
    %swap3A_396 = arith.constant 0 : index
    %swap3A_397 = vector.load %arg12[%swap3A, %swap3A_396] : memref<1024x384xf32, #tpu.memory_space<vmem>>, vector<1024x384xf32>
    tpu.vector_store %arg12[%swap3A, %swap3A_396], %mul3A_395 {strides = array<i32>} : memref<1024x384xf32, #tpu.memory_space<vmem>>, vector<1024x384xf32>,
    return
  }
  func.func @transform_0(%arg0: i32) -> (i32, i32) {
    %c0_i32 = arith.constant 0 : i32
    %c0_i32_0 = arith.constant 0 : i32
    return %arg0, %c0_i32 : i32, i32
  }
  func.func @transform_1(%arg0: i32) -> (i32, i32) {
    %c0_i32 = arith.constant 0 : i32
    %c0_i32_0 = arith.constant 0 : i32
    return %arg0, %c0_i32 : i32, i32
  }
  func.func @transform_2(%arg0: i32) -> (i32, i32) {
    %c0_i32 = arith.constant 0 : i32
    %c0_i32_0 = arith.constant 0 : i32
    %c0_i32_1 = arith.constant 0 : i32
    return %c0_i32, %c0_i32_0 : i32, i32
  }
  func.func @transform_3(%arg0: i32) -> (i32, i32) {
    %c0_i32 = arith.constant 0 : i32
    %c0_i32_0 = arith.constant 0 : i32
    %c0_i32_1 = arith.constant 0 : i32
    return %c0_i32, %c0_i32_0 : i32, i32
  }
  func.func @transform_4(%arg0: i32) -> (i32, i32) {
    %c0_i32 = arith.constant 0 : i32
    %c0_i32_0 = arith.constant 0 : i32
    %c0_i32_1 = arith.constant 0 : i32
    return %c0_i32, %c0_i32_0 : i32, i32
  }
  func.func @transform_5(%arg0: i32) -> (i32, i32) {
    %c0_i32 = arith.constant 0 : i32
    %c0_i32_0 = arith.constant 0 : i32
    %c0_i32_1 = arith.constant 0 : i32
    return %c0_i32, %c0_i32_0 : i32, i32
  }
  func.func @transform_6(%arg0: i32) -> (i32, i32) {
    %c0_i32 = arith.constant 0 : i32
    %c0_i32_0 = arith.constant 0 : i32
    %c0_i32_1 = arith.constant 0 : i32
    return %c0_i32, %c0_i32_0 : i32, i32
  }
  func.func @transform_7(%arg0: i32) -> (i32, i32) {
    %c0_i32 = arith.constant 0 : i32
    %c0_i32_0 = arith.constant 0 : i32
    %c0_i32_1 = arith.constant 0 : i32
    return %c0_i32, %c0_i32_0 : i32, i32
  }
  func.func @transform_8(%arg0: i32) -> (i32, i32) {
    %c0_i32 = arith.constant 0 : i32
    %c0_i32_0 = arith.constant 0 : i32
    %c0_i32_1 = arith.constant 0 : i32
    return %c0_i32, %c0_i32_0 : i32, i32
  }
  func.func @transform_9(%arg0: i32) -> (i32, i32) {
    %c0_i32 = arith.constant 0 : i32
    %c0_i32_0 = arith.constant 0 : i32
    %c0_i32_1 = arith.constant 0 : i32
    return %c0_i32, %c0_i32_0 : i32, i32
  }
  func.func @transform_10(%arg0: i32) -> (i32, i32) {
    %c0_i32 = arith.constant 0 : i32
    %c0_i32_0 = arith.constant 0 : i32
    %c0_i32_1 = arith.constant 0 : i32
    return %c0_i32, %c0_i32_0 : i32, i32
  }
  func.func @transform_11(%arg0: i32) -> (i32, i32) {
    %c0_i32 = arith.constant 0 : i32
    %c0_i32_0 = arith.constant 0 : i32
    return %arg0, %c0_i32 : i32, i32
  }
}

module attributes {stable_mosaic.version = 14 : i64} {
  func.func @_window_body(%arg0: i32, %arg1: memref<21xi32, #tpu.memory_space<smem>>, %arg2: memref<100x1024xi32, #tpu.memory_space<hbm>>, %arg3: memref<102400x384xf32, #tpu.memory_space<hbm>>, %arg4: memref<512x384xf32, #tpu.memory_space<vmem>>, %arg5: memref<1x1024xi32, #tpu.memory_space<vmem>>, %arg6: memref<1024x384xf32, #tpu.memory_space<vmem>>, %arg7: memref<!tpu.dma_semaphore, #tpu.memory_space<semaphore_mem>>, %arg8: memref<!tpu.dma_semaphore, #tpu.memory_space<semaphore_mem>>) attributes {dimension_semantics = [#tpu.dimension_semantics<arbitrary>], iteration_bounds = array<i64: 20>, scalar_prefetch = 1 : i64, scratch_operands = 4 : i64, tpu.core_type = #tpu.core_type<tc>, window_params = [{}, {}, {transform_indices = @transform_2, window_bounds = array<i64: 512, 384>}]} {
    %get3A = arith.index_cast %arg0 : i32 to index
    %get3A_0 = memref.load %arg1[%get3A] : memref<21xi32, #tpu.memory_space<smem>>
    %add3A = arith.constant 1 : i32
    %add3A_1 = arith.addi %arg0, %add3A : i32
    %get3A_2 = arith.index_cast %add3A_1 : i32 to index
    %get3A_3 = memref.load %arg1[%get3A_2] : memref<21xi32, #tpu.memory_space<smem>>
    %jit3A = arith.constant 1024 : i32
    %div3A = arith.divsi %get3A_0, %jit3A : i32
    %sign3A = arith.constant 0 : i32
    %sign3A_4 = arith.cmpi sgt, %get3A_0, %sign3A : i32
    %sign3A_5 = arith.extui %sign3A_4 : i1 to i32
    %sign3A_6 = arith.constant 0 : i32
    %sign3A_7 = arith.cmpi slt, %get3A_0, %sign3A_6 : i32
    %sign3A_8 = arith.extui %sign3A_7 : i1 to i32
    %sign3A_9 = arith.subi %sign3A_5, %sign3A_8 : i32
    %sign3A_10 = arith.constant 0 : i32
    %sign3A_11 = arith.cmpi sgt, %jit3A, %sign3A_10 : i32
    %sign3A_12 = arith.extui %sign3A_11 : i1 to i32
    %sign3A_13 = arith.constant 0 : i32
    %sign3A_14 = arith.cmpi slt, %jit3A, %sign3A_13 : i32
    %sign3A_15 = arith.extui %sign3A_14 : i1 to i32
    %sign3A_16 = arith.subi %sign3A_12, %sign3A_15 : i32
    %ne3A = arith.cmpi ne, %sign3A_9, %sign3A_16 : i32
    %rem3A = arith.remsi %get3A_0, %jit3A : i32
    %ne3A_17 = arith.constant 0 : i32
    %ne3A_18 = arith.cmpi ne, %rem3A, %ne3A_17 : i32
    %and3A = arith.andi %ne3A, %ne3A_18 : i1
    %sub3A = arith.constant 1 : i32
    %sub3A_19 = arith.subi %div3A, %sub3A : i32
    %select_n3A = arith.select %and3A, %sub3A_19, %div3A : i32
    %add3A_20 = arith.constant 1024 : i32
    %add3A_21 = arith.addi %get3A_3, %add3A_20 : i32
    %sub3A_22 = arith.constant 1 : i32
    %sub3A_23 = arith.subi %add3A_21, %sub3A_22 : i32
    %div3A_24 = arith.constant 1024 : i32
    %div3A_25 = arith.divsi %sub3A_23, %div3A_24 : i32
    %mul3A = arith.constant 512 : i32
    %mul3A_26 = arith.muli %arg0, %mul3A : i32
    %broadcast_in_dim3A = arith.constant 0.000000e+00 : f32
    %broadcast_in_dim3A_27 = vector.broadcast %broadcast_in_dim3A : f32 to vector<512x384xf32>
    %swap3A = arith.constant 0 : index
    %swap3A_28 = arith.constant 0 : index
    %swap3A_29 = vector.load %arg4[%swap3A, %swap3A_28] : memref<512x384xf32, #tpu.memory_space<vmem>>, vector<512x384xf32>
    tpu.vector_store %arg4[%swap3A, %swap3A_28], %broadcast_in_dim3A_27 {strides = array<i32>} : memref<512x384xf32, #tpu.memory_space<vmem>>, vector<512x384xf32>,
    %while3A = arith.constant 0 : i32
    %while3A_30 = arith.subi %div3A_25, %select_n3A : i32
    %while3A_31 = arith.addi %select_n3A, %while3A_30 : i32
    %while3A_32 = arith.constant 1 : i32
    %while3A_33 = arith.divsi %while3A_30, %while3A_32 : i32
    %while3A_34 = arith.muli %while3A_33, %while3A_32 : i32
    %while3A_35 = arith.addi %select_n3A, %while3A_34 : i32
    %while3A_36 = arith.constant 1 : i32
    scf.for %while3A_38 = %select_n3A to %while3A_35 step %while3A_36  : i32 {
      %mul3A_39 = arith.constant 1024 : i32
      %mul3A_40 = arith.muli %while3A_38, %mul3A_39 : i32
      %dma_start3A = arith.constant 0 : i32
      %dma_start3A_41 = tpu.memref_slice %arg2[%while3A_38, %dma_start3A] : memref<100x1024xi32, #tpu.memory_space<hbm>> -> memref<1x1024xi32, #tpu.memory_space<hbm>>
      tpu.enqueue_dma source(%dma_start3A_41 : memref<1x1024xi32, #tpu.memory_space<hbm>>) target(%arg5 : memref<1x1024xi32, #tpu.memory_space<vmem>>) target_semaphore(%arg7 : memref<!tpu.dma_semaphore, #tpu.memory_space<semaphore_mem>>)
      %dma_start3A_42 = arith.constant 0 : i32
      %dma_start3A_43 = tpu.memref_slice %arg3[%mul3A_40, %dma_start3A_42] : memref<102400x384xf32, #tpu.memory_space<hbm>> -> memref<1024x384xf32, #tpu.memory_space<hbm>>
      tpu.enqueue_dma source(%dma_start3A_43 : memref<1024x384xf32, #tpu.memory_space<hbm>>) target(%arg6 : memref<1024x384xf32, #tpu.memory_space<vmem>>) target_semaphore(%arg8 : memref<!tpu.dma_semaphore, #tpu.memory_space<semaphore_mem>>)
      %dma_wait3A = arith.constant 0 : i32
      %dma_wait3A_44 = tpu.memref_slice %arg2[%while3A_38, %dma_wait3A] : memref<100x1024xi32, #tpu.memory_space<hbm>> -> memref<1x1024xi32, #tpu.memory_space<hbm>>
      tpu.wait_dma2 semaphore(%arg7 : memref<!tpu.dma_semaphore, #tpu.memory_space<semaphore_mem>>) src(%dma_wait3A_44 : memref<1x1024xi32, #tpu.memory_space<hbm>>) dst(%arg5 : memref<1x1024xi32, #tpu.memory_space<vmem>>)
      %dma_wait3A_45 = arith.constant 0 : i32
      %dma_wait3A_46 = tpu.memref_slice %arg3[%mul3A_40, %dma_wait3A_45] : memref<102400x384xf32, #tpu.memory_space<hbm>> -> memref<1024x384xf32, #tpu.memory_space<hbm>>
      tpu.wait_dma2 semaphore(%arg8 : memref<!tpu.dma_semaphore, #tpu.memory_space<semaphore_mem>>) src(%dma_wait3A_46 : memref<1024x384xf32, #tpu.memory_space<hbm>>) dst(%arg6 : memref<1024x384xf32, #tpu.memory_space<vmem>>)
      %iota3A = tpu.iota {dimensions = array<i32: 0>} : vector<512x1024xi32>
      %add3A_47 = vector.broadcast %mul3A_26 : i32 to vector<512x1024xi32>
      %add3A_48 = arith.addi %iota3A, %add3A_47 : vector<512x1024xi32>
      %get3A_49 = arith.constant 0 : index
      %get3A_50 = arith.constant 0 : index
      %get3A_51 = vector.load %arg5[%get3A_49, %get3A_50] : memref<1x1024xi32, #tpu.memory_space<vmem>>, vector<1x1024xi32>
      %eq3A = vector.broadcast %get3A_51 : vector<1x1024xi32> to vector<512x1024xi32>
      %eq3A_52 = arith.cmpi eq, %add3A_48, %eq3A : vector<512x1024xi32>
      %jit3A_53 = arith.constant 1.000000e+00 : f32
      %jit3A_54 = arith.constant 0.000000e+00 : f32
      %broadcast_in_dim3A_55 = vector.broadcast %jit3A_53 : f32 to vector<512x1024xf32>
      %broadcast_in_dim3A_56 = vector.broadcast %jit3A_54 : f32 to vector<512x1024xf32>
      %select_n3A_57 = arith.select %eq3A_52, %broadcast_in_dim3A_55, %broadcast_in_dim3A_56 : vector<512x1024xi1>, vector<512x1024xf32>
      %get3A_58 = arith.constant 0 : index
      %get3A_59 = arith.constant 0 : index
      %get3A_60 = vector.load %arg4[%get3A_58, %get3A_59] : memref<512x384xf32, #tpu.memory_space<vmem>>, vector<512x384xf32>
      %get3A_61 = arith.constant 0 : index
      %get3A_62 = arith.constant 0 : index
      %get3A_63 = vector.load %arg6[%get3A_61, %get3A_62] : memref<1024x384xf32, #tpu.memory_space<vmem>>, vector<1024x384xf32>
      %dot_general3A = arith.constant dense<0.000000e+00> : vector<512x384xf32>
      %dot_general3A_64 = tpu.matmul %select_n3A_57, %get3A_63, %dot_general3A {dimension_numbers = #tpu.dot_dimension_numbers<[1], [0], [0], [1], [0, 0, 1, 1], [], []>, transpose_lhs_hint = false} : vector<512x1024xf32>, vector<1024x384xf32>, vector<512x384xf32> -> vector<512x384xf32>
      %add3A_65 = arith.addf %get3A_60, %dot_general3A_64 : vector<512x384xf32>
      %swap3A_66 = arith.constant 0 : index
      %swap3A_67 = arith.constant 0 : index
      %swap3A_68 = vector.load %arg4[%swap3A_66, %swap3A_67] : memref<512x384xf32, #tpu.memory_space<vmem>>, vector<512x384xf32>
      tpu.vector_store %arg4[%swap3A_66, %swap3A_67], %add3A_65 {strides = array<i32>} : memref<512x384xf32, #tpu.memory_space<vmem>>, vector<512x384xf32>,
    }
    %while3A_37 = arith.constant 1 : i32
    scf.for %while3A_38 = %while3A_35 to %while3A_31 step %while3A_37  : i32 {
      %mul3A_39 = arith.constant 1024 : i32
      %mul3A_40 = arith.muli %while3A_38, %mul3A_39 : i32
      %dma_start3A = arith.constant 0 : i32
      %dma_start3A_41 = tpu.memref_slice %arg2[%while3A_38, %dma_start3A] : memref<100x1024xi32, #tpu.memory_space<hbm>> -> memref<1x1024xi32, #tpu.memory_space<hbm>>
      tpu.enqueue_dma source(%dma_start3A_41 : memref<1x1024xi32, #tpu.memory_space<hbm>>) target(%arg5 : memref<1x1024xi32, #tpu.memory_space<vmem>>) target_semaphore(%arg7 : memref<!tpu.dma_semaphore, #tpu.memory_space<semaphore_mem>>)
      %dma_start3A_42 = arith.constant 0 : i32
      %dma_start3A_43 = tpu.memref_slice %arg3[%mul3A_40, %dma_start3A_42] : memref<102400x384xf32, #tpu.memory_space<hbm>> -> memref<1024x384xf32, #tpu.memory_space<hbm>>
      tpu.enqueue_dma source(%dma_start3A_43 : memref<1024x384xf32, #tpu.memory_space<hbm>>) target(%arg6 : memref<1024x384xf32, #tpu.memory_space<vmem>>) target_semaphore(%arg8 : memref<!tpu.dma_semaphore, #tpu.memory_space<semaphore_mem>>)
      %dma_wait3A = arith.constant 0 : i32
      %dma_wait3A_44 = tpu.memref_slice %arg2[%while3A_38, %dma_wait3A] : memref<100x1024xi32, #tpu.memory_space<hbm>> -> memref<1x1024xi32, #tpu.memory_space<hbm>>
      tpu.wait_dma2 semaphore(%arg7 : memref<!tpu.dma_semaphore, #tpu.memory_space<semaphore_mem>>) src(%dma_wait3A_44 : memref<1x1024xi32, #tpu.memory_space<hbm>>) dst(%arg5 : memref<1x1024xi32, #tpu.memory_space<vmem>>)
      %dma_wait3A_45 = arith.constant 0 : i32
      %dma_wait3A_46 = tpu.memref_slice %arg3[%mul3A_40, %dma_wait3A_45] : memref<102400x384xf32, #tpu.memory_space<hbm>> -> memref<1024x384xf32, #tpu.memory_space<hbm>>
      tpu.wait_dma2 semaphore(%arg8 : memref<!tpu.dma_semaphore, #tpu.memory_space<semaphore_mem>>) src(%dma_wait3A_46 : memref<1024x384xf32, #tpu.memory_space<hbm>>) dst(%arg6 : memref<1024x384xf32, #tpu.memory_space<vmem>>)
      %iota3A = tpu.iota {dimensions = array<i32: 0>} : vector<512x1024xi32>
      %add3A_47 = vector.broadcast %mul3A_26 : i32 to vector<512x1024xi32>
      %add3A_48 = arith.addi %iota3A, %add3A_47 : vector<512x1024xi32>
      %get3A_49 = arith.constant 0 : index
      %get3A_50 = arith.constant 0 : index
      %get3A_51 = vector.load %arg5[%get3A_49, %get3A_50] : memref<1x1024xi32, #tpu.memory_space<vmem>>, vector<1x1024xi32>
      %eq3A = vector.broadcast %get3A_51 : vector<1x1024xi32> to vector<512x1024xi32>
      %eq3A_52 = arith.cmpi eq, %add3A_48, %eq3A : vector<512x1024xi32>
      %jit3A_53 = arith.constant 1.000000e+00 : f32
      %jit3A_54 = arith.constant 0.000000e+00 : f32
      %broadcast_in_dim3A_55 = vector.broadcast %jit3A_53 : f32 to vector<512x1024xf32>
      %broadcast_in_dim3A_56 = vector.broadcast %jit3A_54 : f32 to vector<512x1024xf32>
      %select_n3A_57 = arith.select %eq3A_52, %broadcast_in_dim3A_55, %broadcast_in_dim3A_56 : vector<512x1024xi1>, vector<512x1024xf32>
      %get3A_58 = arith.constant 0 : index
      %get3A_59 = arith.constant 0 : index
      %get3A_60 = vector.load %arg4[%get3A_58, %get3A_59] : memref<512x384xf32, #tpu.memory_space<vmem>>, vector<512x384xf32>
      %get3A_61 = arith.constant 0 : index
      %get3A_62 = arith.constant 0 : index
      %get3A_63 = vector.load %arg6[%get3A_61, %get3A_62] : memref<1024x384xf32, #tpu.memory_space<vmem>>, vector<1024x384xf32>
      %dot_general3A = arith.constant dense<0.000000e+00> : vector<512x384xf32>
      %dot_general3A_64 = tpu.matmul %select_n3A_57, %get3A_63, %dot_general3A {dimension_numbers = #tpu.dot_dimension_numbers<[1], [0], [0], [1], [0, 0, 1, 1], [], []>, transpose_lhs_hint = false} : vector<512x1024xf32>, vector<1024x384xf32>, vector<512x384xf32> -> vector<512x384xf32>
      %add3A_65 = arith.addf %get3A_60, %dot_general3A_64 : vector<512x384xf32>
      %swap3A_66 = arith.constant 0 : index
      %swap3A_67 = arith.constant 0 : index
      %swap3A_68 = vector.load %arg4[%swap3A_66, %swap3A_67] : memref<512x384xf32, #tpu.memory_space<vmem>>, vector<512x384xf32>
      tpu.vector_store %arg4[%swap3A_66, %swap3A_67], %add3A_65 {strides = array<i32>} : memref<512x384xf32, #tpu.memory_space<vmem>>, vector<512x384xf32>,
    }
    return
  }
  func.func @transform_2(%arg0: i32, %arg1: memref<21xi32, #tpu.memory_space<smem>>) -> (i32, i32) {
    %c0_i32 = arith.constant 0 : i32
    %c0_i32_0 = arith.constant 0 : i32
    return %arg0, %c0_i32 : i32, i32
  }
}

module attributes {stable_mosaic.version = 14 : i64} {
  func.func @_final_body(%arg0: i32, %arg1: memref<1024x384xf32, #tpu.memory_space<vmem>>, %arg2: memref<384x384xf32, #tpu.memory_space<vmem>>, %arg3: memref<1x384xf32, #tpu.memory_space<vmem>>, %arg4: memref<1024x384xf32, #tpu.memory_space<vmem>>) attributes {dimension_semantics = [#tpu.dimension_semantics<arbitrary>], iteration_bounds = array<i64: 10>, scalar_prefetch = 0 : i64, scratch_operands = 0 : i64, tpu.core_type = #tpu.core_type<tc>, window_params = [{transform_indices = @transform_0, window_bounds = array<i64: 1024, 384>}, {pipeline_mode = #tpu.pipeline_mode<synchronous>, transform_indices = @transform_1, window_bounds = array<i64: 384, 384>}, {pipeline_mode = #tpu.pipeline_mode<synchronous>, transform_indices = @transform_2, window_bounds = array<i64: 1, 384>}, {transform_indices = @transform_3, window_bounds = array<i64: 1024, 384>}]} {
    %get3A = arith.constant 0 : index
    %get3A_0 = arith.constant 0 : index
    %get3A_1 = vector.load %arg1[%get3A, %get3A_0] : memref<1024x384xf32, #tpu.memory_space<vmem>>, vector<1024x384xf32>
    %get3A_2 = arith.constant 0 : index
    %get3A_3 = arith.constant 0 : index
    %get3A_4 = vector.load %arg2[%get3A_2, %get3A_3] : memref<384x384xf32, #tpu.memory_space<vmem>>, vector<384x384xf32>
    %dot_general3A = arith.constant dense<0.000000e+00> : vector<1024x384xf32>
    %dot_general3A_5 = tpu.matmul %get3A_1, %get3A_4, %dot_general3A {dimension_numbers = #tpu.dot_dimension_numbers<[1], [0], [0], [1], [0, 0, 1, 1], [], []>, transpose_lhs_hint = false} : vector<1024x384xf32>, vector<384x384xf32>, vector<1024x384xf32> -> vector<1024x384xf32>
    %get3A_6 = arith.constant 0 : index
    %get3A_7 = arith.constant 0 : index
    %get3A_8 = vector.load %arg3[%get3A_6, %get3A_7] : memref<1x384xf32, #tpu.memory_space<vmem>>, vector<1x384xf32>
    %add3A = vector.broadcast %get3A_8 : vector<1x384xf32> to vector<1024x384xf32>
    %add3A_9 = arith.addf %dot_general3A_5, %add3A : vector<1024x384xf32>
    %swap3A = arith.constant 0 : index
    %swap3A_10 = arith.constant 0 : index
    %swap3A_11 = vector.load %arg4[%swap3A, %swap3A_10] : memref<1024x384xf32, #tpu.memory_space<vmem>>, vector<1024x384xf32>
    tpu.vector_store %arg4[%swap3A, %swap3A_10], %add3A_9 {strides = array<i32>} : memref<1024x384xf32, #tpu.memory_space<vmem>>, vector<1024x384xf32>,
    return
  }
  func.func @transform_0(%arg0: i32) -> (i32, i32) {
    %c0_i32 = arith.constant 0 : i32
    %c0_i32_0 = arith.constant 0 : i32
    return %arg0, %c0_i32 : i32, i32
  }
  func.func @transform_1(%arg0: i32) -> (i32, i32) {
    %c0_i32 = arith.constant 0 : i32
    %c0_i32_0 = arith.constant 0 : i32
    %c0_i32_1 = arith.constant 0 : i32
    return %c0_i32, %c0_i32_0 : i32, i32
  }
  func.func @transform_2(%arg0: i32) -> (i32, i32) {
    %c0_i32 = arith.constant 0 : i32
    %c0_i32_0 = arith.constant 0 : i32
    %c0_i32_1 = arith.constant 0 : i32
    return %c0_i32, %c0_i32_0 : i32, i32
  }
  func.func @transform_3(%arg0: i32) -> (i32, i32) {
    %c0_i32 = arith.constant 0 : i32
    %c0_i32_0 = arith.constant 0 : i32
    return %arg0, %c0_i32 : i32, i32
  }
}

</mosaic_0001>

<sc_bundles>
// kernel: gather_offload_async_start.1
scs
__scs_entry_jumppad:
0x0: {  	(pc) =	sbr.rel $0x88, $3  }
0x1: {  	(tag) =	ssettag $0x0;
	lr =	simm.s32 $0x1  }
0x2: {  	[smem:$0x3F94] =	sst lr;
	_ =	strace $0xD0000000  }
0x3: {  	_ = 	snop  }
0x4: {  	_ = 	snop  }
0x5: {  	_ = 	snop  }
0x6: {  	_ = 	snop  }
0x7: {  	_ = 	snop  }
__scs_overlays_trampoline_lowered:
0x8: {  	[smem:$0x3FA3] =	sst s0  }
0x9: {  	[smem:$0x3FA4] =	sst s1  }
0xa: {  	[smem:$0x3FA5] =	sst s2  }
0xb: {  	[smem:$0x3FA6] =	sst s3  }
0xc: {  	[smem:$0x3FA7] =	sst s4  }
0xd: {  	[smem:$0x3FA8] =	sst s5  }
0xe: {  	[smem:$0x3FA9] =	sst s6  }
0xf: {  	[smem:$0x3FAA] =	sst s7  }
0x10: {  	[smem:$0x3FAB] =	sst s8  }
0x11: {  	[smem:$0x3FAC] =	sst s9;
	s0 =	simm.s32 @!p0 $0x0  }
0x12: {  	s1 =	sld [smem:$0x3F92];
	s0 =	simm.s32 @p0 $0x1  }
0x13: {  	[smem:$0x3FAD] =	sst s0;
	s0 =	simm.s32 @!p1 $0x0  }
0x14: {  	s2 =	sld [smem:$0x3F91];
	s0 =	simm.s32 @p1 $0x1  }
0x15: {  	[smem:$0x3FAE] =	sst s0;
	s0 =	simm.s32 @!p2 $0x0  }
0x16: {  	s3 =	sld [smem:$0x3FDB];
	s0 =	simm.s32 @p2 $0x1  }
0x17: {  	s4 =	simm.s32 $0x1BF5;
	[smem:$0x3FB0] =	sst s0  }
0x18: {  	s0 =	sld [smem:$0x3F93];
	_ =	swait.ge [sflag:s4], $0x0  }
0x19: {  	s7 =	sld [smem:$0x3F94]  }
0x1a: {  	s8 =	sadd.s32 $0xFFFFE003, lr  }
0x1b: {  	s9 =	sadd.s32 $0xFFFFFEF7, lr;
	s5 =	simm.s32 $0xFFFFFFFF;
	p2 =	slt.u32 s8, $0xFFFFF086  }
0x1c: {  	p1 =	slt.u32 s9, $0xF7A;
	s5 =	simm.s32 @!p2 $0x0  }
0x1d: {  	s5 =	simm.s32 @p1 $0x1;
	p0 =	seq.s32 s7, s2  }
0x1e: {  	s7 =	smul.u32 @!p0 $0xF7A, s2;
	p2 =	seq.s32 @!p0 s5, $0x0  }
0x1f: {  	s9 =	smul.u32 $0xF7A, s1;
	s8 =	simm.s32 @!p0 $0x1BF5;
	p2 =	por !p2, p0  }
0x20: {  	[sflag:s8] =	ssyncset.s32 @!p0 $0xFFFFF086;
	s6 =	sadd.s32 @!p0 s3, s7;
	s7 =	simm.s32 @!p0 $0x108  }
0x21: {  	s3 =	sadd.s32 s3, s9;
	s6 =	sadd.s32 @!p0 $0x88, s6;
	s7 =	simm.s32 @p2 $0x1082  }
0x22: {  	[simem:s7], [sflag:s8] =	dma.local @!p0 [hbm:s6], $0xF7A  }
0x23: {  	s9 =	sor.u32 $0xD0000000, s2;
	s6 =	simm.s32 $0x108;
	_ =	swait.ge @!p0 [sflag:s8], $0x0  }
0x24: {  	s3 =	sadd.s32 $0x88, s3;
	s6 =	simm.s32 @!p1 $0x1082;
	[sflag:s4] =	ssyncset.s32 $0xFFFFF086  }
0x25: {  	[simem:s6], [sflag:s4] =	dma.local [hbm:s3], $0xF7A  }
0x26: {  	[smem:$0x3F94] =	sst s1;
	(tag) =	ssettag s2;
	_ =	strace s9  }
0x27: {  	s1 =	sld [smem:$0x3FA4]  }
0x28: {  	s2 =	sld [smem:$0x3FA5]  }
0x29: {  	s4 =	sld [smem:$0x3FA7]  }
0x2a: {  	p0 =	seq.s32 s5, $0x0;
	s5 =	sld [smem:$0x3FA8]  }
0x2b: {  	s6 =	sld [smem:$0x3FA9]  }
0x2c: {  	s7 =	sld [smem:$0x3FAA]  }
0x2d: {  	s3 =	simm.s32 $0x108;
	s8 =	sld [smem:$0x3FAB]  }
0x2e: {  	s3 =	simm.s32 @!p0 $0x1082;
	s9 =	sld [smem:$0x3FAC]  }
0x2f: {  	lr =	sadd.s32 s0, s3;
	s0 =	sld [smem:$0x3FA3]  }
0x30: {  	s3 =	sld [smem:$0x3FA6]  }
0x31: {  	[smem:$0x3FAF] =	sst s10  }
0x32: {  	s10 =	sld [smem:$0x3FAD];
	_ =	sdelay $0x3  }
0x33: {  	p0 =	seq.s32 s10, $0x1;
	s10 =	sld [smem:$0x3FAF];
	_ =	sdelay $0x3  }
0x34: {  	[smem:$0x3FAF] =	sst s10  }
0x35: {  	s10 =	sld [smem:$0x3FAE];
	_ =	sdelay $0x3  }
0x36: {  	p1 =	seq.s32 s10, $0x1;
	s10 =	sld [smem:$0x3FAF];
	_ =	sdelay $0x3  }
0x37: {  	[smem:$0x3FAF] =	sst s10  }
0x38: {  	s10 =	sld [smem:$0x3FB0]  }
0x39: {  	_ = 	snop;
	(pc) =	sbr.ind lr, $3  }
0x3a: {  	_ = 	snop  }
0x3b: {  	_ = 	snop  }
0x3c: {  	p2 =	seq.s32 s10, $0x1;
	s10 =	sld [smem:$0x3FAF]  }
0x3d: {  	_ =	shalt  }
0x3e: {  	_ =	shalt  }
0x3f: {  	_ =	shalt  }
0x40: {  	_ =	shalt  }
0x41: {  	_ =	shalt  }
0x42: {  	_ =	shalt  }
0x43: {  	_ =	shalt  }
0x44: {  	_ =	shalt  }
0x45: {  	_ =	shalt  }
0x46: {  	_ =	shalt  }
0x47: {  	_ =	shalt  }
0x48: {  	_ =	shalt  }
0x49: {  	_ =	shalt  }
0x4a: {  	_ =	shalt  }
0x4b: {  	_ =	shalt  }
0x4c: {  	_ =	shalt  }
0x4d: {  	_ =	shalt  }
0x4e: {  	_ =	shalt  }
0x4f: {  	_ =	shalt  }
0x50: {  	_ =	shalt  }
0x51: {  	_ =	shalt  }
0x52: {  	_ =	shalt  }
0x53: {  	_ =	shalt  }
0x54: {  	_ =	shalt  }
0x55: {  	_ =	shalt  }
0x56: {  	_ =	shalt  }
0x57: {  	_ =	shalt  }
0x58: {  	_ =	shalt  }
0x59: {  	_ =	shalt  }
0x5a: {  	_ =	shalt  }
0x5b: {  	_ =	shalt  }
0x5c: {  	_ =	shalt  }
0x5d: {  	_ =	shalt  }
0x5e: {  	_ =	shalt  }
0x5f: {  	_ =	shalt  }
0x60: {  	_ =	shalt  }
0x61: {  	_ =	shalt  }
0x62: {  	_ =	shalt  }
0x63: {  	_ =	shalt  }
0x64: {  	_ =	shalt  }
0x65: {  	_ =	shalt  }
0x66: {  	_ =	shalt  }
0x67: {  	_ =	shalt  }
0x68: {  	_ =	shalt  }
0x69: {  	_ =	shalt  }
0x6a: {  	_ =	shalt  }
0x6b: {  	_ =	shalt  }
0x6c: {  	_ =	shalt  }
0x6d: {  	_ =	shalt  }
0x6e: {  	_ =	shalt  }
0x6f: {  	_ =	shalt  }
0x70: {  	_ =	shalt  }
0x71: {  	_ =	shalt  }
0x72: {  	_ =	shalt  }
0x73: {  	_ =	shalt  }
0x74: {  	_ =	shalt  }
0x75: {  	_ =	shalt  }
0x76: {  	_ =	shalt  }
0x77: {  	_ =	shalt  }
0x78: {  	_ =	shalt  }
0x79: {  	_ =	shalt  }
0x7a: {  	_ =	shalt  }
0x7b: {  	_ =	shalt  }
0x7c: {  	_ =	shalt  }
0x7d: {  	_ =	shalt  }
0x7e: {  	_ =	shalt  }
0x7f: {  	_ =	shalt  }
0x80: {  	_ =	shalt  }
0x81: {  	_ =	shalt  }
0x82: {  	_ =	shalt  }
0x83: {  	_ =	shalt  }
0x84: {  	_ =	shalt  }
0x85: {  	_ =	shalt  }
0x86: {  	_ =	shalt  }
0x87: {  	_ =	shalt  }
.Lfunc_end0:
.L_simem_size_0:
called_computation.1_lowered:
.L_overlay_start_0:
0x88: {  	s2 =	sld [smem:$0x3FD9]  }
0x89: {  	s3 =	sld [smem:$0x3FFE];
	_ =	sdelay $0x1  }
0x8a: {  	s1 =	srdreg.scid  }
0x8b: {  	s0 =	sand.u32 $0x1, s1  }
0x8c: {  	s17 =	sshll.u32 s0, $0xA;
	s2 =	sadd.s32 s3, s2  }
0x8d: {  	s2 =	sadd.s32 s2, s17  }
0x8e: {  	[smem:$0x3FBB] =	sst s2  }
0x8f: {  	_ = 	snop  }
0x90: {  	(tm) =	ssettm $0x1  }
0x91: {  	s18 =	sld [smem:$0x3FFB];
	_ =	sdelay $0x3  }
0x92: {  	_ =	strace s18  }
0x93: {  	s2 =	sld [smem:$0x3FFC];
	_ =	sdelay $0x3  }
0x94: {  	_ =	strace s2  }
0x95: {  	s2 =	sld [smem:$0x3FFD];
	_ =	sdelay $0x3  }
0x96: {  	_ =	strace s2  }
0x97: {  	_ =	strace $0x8FFFFFFF  }
0x98: {  	s19 =	sld [smem:$0x3FDB];
	_ =	sdelay $0x1  }
0x99: {  	s20 =	simm.s32 $_scs_section_size  }
0x9a: {  	s4 =	simm.s32 $_size__tile_overlayer_lowered;
	s5 =	simm.s32 $_tile_overlayer_lowered  }
0x9b: {  	s6 =	simm.s32 $0x1BFF;
	s21 =	sshll.u32 s5, $0x1;
	s3 =	sadd.s32 s20, s19  }
0x9c: {  	s22 =	simm.s32 $0x0;
	s4 =	sshll.u32 s4, $0x1;
	s5 =	sadd.s32 s21, s3  }
0x9d: {  	[timem:s22], [sflag:s6] =	dma.local [hbm:s5], s4  }
0x9e: {  	_ =	swait.ge [sflag:s6], s4  }
0x9f: {  	s4 =	ssub.s32 $0x0, s4;
	[sflag:s6] =	ssyncset.done $0x0  }
0xa0: {  	[sflag:s6] =	ssyncadd.s32 s4;
	_ =	sdelay $0x1  }
0xa1: {  	s23 =	simm.s32 $0x1B8B  }
0xa2: {  	_ =	swait.ge [sflag:s23], $0x1  }
0xa3: {  	[sflag:s23] =	ssyncset.done $0x0  }
0xa4: {  	[sflag:s23] =	ssyncadd.s32 $0xFFFFFFFF  }
0xa5: {  	s4 =	sld [smem:$0x0]  }
0xa6: {  	s5 =	sand.u32 $0xFFFFFFFE, s1  }
0xa7: {  	p0 =	sne.s32 s1, s5  }
0xa8: {  	s5 =	sshll.u32 @p0 s5, $0xE  }
0xa9: {  	s5 =	sadd.s32 @p0 $0x11B8D, s5;
	s6 =	sshll.u32 @p0 s4, $0x11  }
0xaa: {  	s5 =	sor.u32 @p0 s6, s5  }
0xab: {  	[sflag:s5] =	ssyncadd.remote.s32 @p0 $0x1;
	_ =	sdelay $0x1  }
0xac: {  	s5 =	simm.s32 @p0 $0x1B8D  }
0xad: {  	_ =	swait.eq @p0 [sflag:s5], $0x1  }
0xae: {  	[sflag:s5] =	ssyncadd.s32 @p0 $0xFFFFFFFF  }
0xaf: {  	s6 =	sshll.u32 @!p0 s1, $0xE  }
0xb0: {  	s6 =	sor.u32 @!p0 $0x4000, s6;
	s5 =	simm.s32 @!p0 $0x1B8D  }
0xb1: {  	s4 =	sshll.u32 @!p0 s4, $0x11;
	s6 =	sadd.s32 @!p0 $0x11B8D, s6;
	_ =	swait.eq @!p0 [sflag:s5], $0x1  }
0xb2: {  	s4 =	sor.u32 @!p0 s4, s6;
	[sflag:s5] =	ssyncadd.s32 @!p0 $0xFFFFFFFF  }
0xb3: {  	s25 =	simm.s32 $0x1B8E;
	s24 =	sld [smem:$0x3FFE];
	[sflag:s4] =	ssyncadd.remote.s32 @!p0 $0x1  }
0xb4: {  	s26 =	simm.s32 $execute0_lowered;
	[smem:$0x3FD2] =	sst s25  }
0xb5: {  	s5 =	sshll.u32 s26, $0x1;
	_ =	strace $0x8000004C;
	[dreg:$0x1] =	wrdreg $0xFFFFFFFF  }
0xb6: {  	s28 =	simm.s32 $_size_execute0_lowered;
	s3 =	sadd.s32 s3, s5;
	[dreg:$0x0] =	wrdreg $0x0  }
0xb7: {  	s5 =	sshll.u32 s28, $0x1;
	[dreg:$0x2] =	wrdreg s3  }
0xb8: {  	[dreg:$0x3] =	wrdreg s5  }
0xb9: {  	[dreg:$0x4] =	wrdreg $0xC0  }
0xba: {  	_ =	task [dreg:s22], $0x5FFFF  }
0xbb: {  	[dreg:$0x1] =	wrdreg $0xFFFFFFFF  }
0xbc: {  	[dreg:$0x0] =	wrdreg $0x60  }
0xbd: {  	[dreg:$0x2] =	wrdreg s24  }
0xbe: {  	[dreg:$0x3] =	wrdreg $0x9  }
0xbf: {  	_ =	task.clear_ibuf [dreg:s22], $0x4FFFF;
	_ =	strace $0x9000004C  }
0xc0: {  	s29 =	simm.s32 $0x9;
	_ =	strace $0x8000004E  }
0xc1: {  	_ =	swait.ge [sflag:s29], $0x1  }
0xc2: {  	[sflag:s29] =	ssyncadd.s32 $0xFFFFFFFF  }
0xc3: {  	_ =	strace $0x9000004E  }
0xc4: {  	_ =	sfence  }
0xc5: {  	s30 =	sld [smem:$0x0];
	_ =	sdelay $0x2  }
0xc6: {  	s31 =	sshll.u32 s1, $0xD;
	s1 =	sshrl.u32 s1, $0x2  }
0xc7: {  	s4 =	sand.u32 $0x4000, s31;
	s1 =	sadd.s32 s1, s30  }
0xc8: {  	s0 =	sor.u32 s4, s0;
	s1 =	sshll.u32 s1, $0x11  }
0xc9: {  	s0 =	sor.u32 s1, s0  }
0xca: {  	s0 =	sadd.s32 $0x8F2B, s0  }
0xcb: {  	[sflag:s0] =	ssyncadd.remote.s32 $0x1  }
0xcc: {  	_ =	sfence.sel $0xFFFF  }
0xcd: {  	[dreg:$0x0] =	wrdreg $0xFFFFFFFF;
	(pc) =	sbr.abs _section_cstart, $3  }
0xce: {  	[dreg:$0x1] =	wrdreg $0xFFFFFFFF  }
0xcf: {  	_ =	task.clear_ibuf [dreg:s22], $0x2FFFF;
	_ =	strace $0x9FFFFFFF  }
0xd0: {  	(tm) =	ssettm $0x7FFFFFFF  }
0xd1: {  	_ =	shalt  }
tec
execute0_lowered:
.L_overlay_start_1:
0x0: {  	(tag) =	ssettag $0x1  }
0x1: {  	s7 =	rddreg [dreg:$0x0]  }
0x2: {  	s1 =	srdreg.scid;
	s0 =	rddreg [dreg:$0x1]  }
0x3: {  	_ =	strace $0x8000004D;
	s3 =	simm.s32 $0x1;
	s5 =	simm.s32 $0x2  }
0x4: {  	s9 =	simm.s32 $0x3;
	s11 =	simm.s32 $0x0;
	s2 =	sshll.u32 s1, $0x4  }
.Ltmp0:
0x5: {  	s1 =	stileid.u32;
	s4 =	sand.u32 $0x10, s2;
	(pc) =	sbr.rel .LBB2_1-.Ltmp0, $4  }
0x6: {  	p0 =	por $0x0, $0x0;
	[sflag:s3] =	ssyncpa.u1 $0x0;
	s4 =	sor.u32 s1, s4  }
0x7: {  	s6 =	sadd.s32 $0x5A00, s7;
	[sflag:s5] =	ssyncpa.u1 $0x0;
	s4 =	smul.u32 $0xC80, s4  }
0x8: {  	s2 =	sadd.s32 $0x12200, s7;
	s7 =	sadd.s32 $0x1A2200, s7;
	[sflag:s9] =	ssyncpa.u1 $0x0  }
0x9: {  	vm0 =	vmmov $0xff;
	vm1 =	vcmask $0x3F20;
	s9 =	simm.s32 $0x0;
	s8 =	sadd.s32 $0xC80, s4;
	s10 =	smov.u32 s4  }
.LBB2_6:
0xa: {  	[hbm:s15] =	stream.linear.scatter [tilespmem:s12], [sflag:$0x3], $0x400, $0x38;
	[tilespmem:$0x14280] =	vst v63  }
.LBB2_7:
0xb: {  	p1 =	slt.u32 s9, $0x2;
	s11 =	sadd.s32 $0x140, s10  }
0xc: {  	s13 =	smov.u32 s4;
	s9 =	sadd.s32 $0x1, s9;
	p2 =	slt.s32 s11, s8  }
0xd: {  	s13 =	smov.u32 @p2 s11;
	p2 =	sne.s32 s9, $0xC  }
.Ltmp1:
0xe: {  	_ = 	snop;
	(pc) =	sbr.rel @!p2 .LBB2_8-.Ltmp1, $4  }
0xf: {  	s12 =	simm.s32 @!p1 $0x3  }
0x10: {  	_ =	swait.ge @!p1 [sflag:s12], $0xA000  }
0x11: {  	p0 =	por !p0, !p0;
	[sflag:s12] =	ssyncset.done @!p1 $0x0  }
0x12: {  	s11 =	smov.u32 s10;
	s10 =	smov.u32 s13;
	[sflag:s12] =	ssyncadd.s32 @!p1 $0xFFFF6000  }
.LBB2_1:
0x13: {  	p1 =	sgt.u32 s9, $0x9  }
0x14: {  	s12 =	sxor.u32 @!p1 $0xFFFFFFFF, s9  }
0x15: {  	s12 =	sand.u32 @!p1 $0x1, s12  }
0x16: {  	s12 =	smul.u32 @!p1 $0x500, s12  }
0x17: {  	s31 =	sadd.s32 $0xFFFFFFFF, s9;
	s13 =	sshrl.u32 @!p1 s10, $0x3  }
0x18: {  	s14 =	sand.u32 @!p1 $0x7, s10;
	s13 =	sadd.s32 @!p1 s6, s13;
	s12 =	sshrl.u32 @!p1 s12, $0x2  }
0x19: {  	[tilespmem:s12], [sflag:$0x2] =	stream.linear.gather @!p1 [hbm4b:s13+s14], $0x140, $0x38;
	[tilespmem:$0x14280] =	vst v63  }
0x1a: {  	p1 =	sgt.u32 s31, $0x9  }
.Ltmp2:
0x1b: {  	_ = 	snop;
	(pc) =	sbr.rel @p1 .LBB2_7-.Ltmp2, $1  }
0x1c: {  	_ =	sdelay $0x3  }
0x1d: {  	s12 =	simm.s32 $0x1  }
0x1e: {  	s12 =	simm.s32 @!p0 $0x0  }
0x1f: {  	s13 =	smul.u32 $0x500, s12  }
0x20: {  	_ =	swait.ge [sflag:s5], $0x140  }
0x21: {  	[sflag:s5] =	ssyncset.done $0x0;
	s14 =	sshrl.u32 s13, $0x2  }
0x22: {  	[sflag:s5] =	ssyncadd.s32 $0xFFFFFEC0;
	s13 =	sadd.s32 $0x0, s14  }
0x23: {  	v0 =	vld.msk [tilespmem:s13+$0x0 ss:$0x1], $0xffff;
	_ =	sdelay $0x4  }
0x24: {  	vm2 =	vgt.s32 v0, $0x0  }
0x25: {  	v0 =	vnsel vm2, $0x0, v0  }
0x26: {  	v0 =	vmin.u32 v0, $0x18FFF  }
0x27: {  	v0 =	vshll.u32 v0, $0x4  }
0x28: {  	s12 =	smul.u32 $0x28000, s12;
	_ =	sdelay $0x1  }
0x29: {  	s12 =	sshrl.u32 s12, $0x2  }
0x2a: {  	s12 =	sor.u32 $0x280, s12  }
0x2b: {  	[tilespmem:s12], [sflag:$0x1] =	stream.indirect_vreg.gather [hbm:s2], $0x80, v0, vm0, $0x38;
	[tilespmem:$0x14280] =	vst v63  }
0x2c: {  	s15 =	sadd.s32 $0x10, s14;
	s13 =	sadd.s32 $0x400, s12  }
0x2d: {  	[tilespmem:s13], [sflag:$0x1] =	stream.indirect_vreg.gather [hbm:s2], $0x80, v0, vm1, $0x38;
	[tilespmem:$0x14280] =	vst v63  }
0x2e: {  	s16 =	simm.s32 $0x80;
	v0 =	vld.msk [tilespmem:s15+$0x0 ss:$0x1], $0xffff;
	s15 =	smov.u32 s12  }
.LBB2_3:
0x2f: {  	p1 =	sne.s32 s16, $0x4C0;
	_ =	sdelay $0x4  }
0x30: {  	vm2 =	vgt.s32 v0, $0x0  }
0x31: {  	v0 =	vnsel vm2, $0x0, v0  }
0x32: {  	v0 =	vmin.u32 v0, $0x18FFF  }
0x33: {  	v0 =	vshll.u32 v0, $0x4;
	_ =	sdelay $0x3  }
.Ltmp3:
0x34: {  	s17 =	sshra.s32 s16, $0x2;
	s15 =	sadd.s32 $0x800, s15;
	(pc) =	sbr.rel @p1 .LBB2_3-.Ltmp3, $4  }
0x35: {  	[tilespmem:s15], [sflag:$0x1] =	stream.indirect_vreg.gather [hbm:s2], $0x80, v0, vm0, $0x38;
	[tilespmem:$0x14280] =	vst v63  }
0x36: {  	s17 =	sadd.s32 s17, s14;
	s18 =	sadd.s32 $0x400, s15  }
0x37: {  	[tilespmem:s18], [sflag:$0x1] =	stream.indirect_vreg.gather [hbm:s2], $0x80, v0, vm1, $0x38;
	[tilespmem:$0x14280] =	vst v63  }
0x38: {  	s16 =	sadd.s32 $0x40, s16;
	v0 =	vld.msk [tilespmem:s17+$0x0 ss:$0x1], $0xffff  }
0x39: {  	_ =	sdelay $0x3  }
0x3a: {  	vm2 =	vgt.s32 v0, $0x0  }
0x3b: {  	v0 =	vnsel vm2, $0x0, v0  }
0x3c: {  	v0 =	vmin.u32 v0, $0x18FFF  }
0x3d: {  	v0 =	vshll.u32 v0, $0x4;
	_ =	sdelay $0x3  }
0x3e: {  	s14 =	sadd.s32 $0x800, s15  }
0x3f: {  	[tilespmem:s14], [sflag:$0x1] =	stream.indirect_vreg.gather [hbm:s2], $0x80, v0, vm0, $0x38;
	[tilespmem:$0x14280] =	vst v63  }
0x40: {  	s14 =	sadd.s32 $0x400, s14  }
0x41: {  	[tilespmem:s14], [sflag:$0x1] =	stream.indirect_vreg.gather [hbm:s2], $0x80, v0, vm1, $0x38;
	[tilespmem:$0x14280] =	vst v63  }
0x42: {  	s11 =	sshll.u32 s11, $0x4;
	_ =	swait.ge [sflag:s3], $0xA000  }
0x43: {  	s11 =	sadd.s32 s11, s7;
	[sflag:s3] =	ssyncset.done $0x0  }
0x44: {  	s15 =	sadd.s32 $0x0, s11;
	s14 =	simm.s32 $0x80;
	[sflag:s3] =	ssyncadd.s32 $0xFFFF6000  }
.LBB2_5:
0x45: {  	[hbm:s15] =	stream.linear.scatter [tilespmem:s12], [sflag:$0x3], $0x400, $0x38;
	[tilespmem:$0x14280] =	vst v63  }
0x46: {  	s15 =	smov.u32 s14;
	s12 =	smov.u32 s13;
	p1 =	sne.s32 s14, $0x1380  }
.Ltmp4:
0x47: {  	s14 =	sadd.s32 $0x80, s14;
	(pc) =	sbr.rel @p1 .LBB2_5-.Ltmp4, $2  }
0x48: {  	_ =	sdelay $0x2  }
0x49: {  	s13 =	sadd.s32 $0x400, s13;
	s15 =	sadd.s32 s15, s11  }
.Ltmp5:
0x4a: {  	_ = 	snop;
	(pc) =	sbr.rel .LBB2_6-.Ltmp5, $1  }
0x4b: {  	_ =	sdelay $0x3  }
.LBB2_8:
0x4c: {  	_ =	sfence.sel $0x180000  }
0x4d: {  	s2 =	simm.s32 $0x2;
	[bflag:$0x0] =	sbarrier.arrive $0xFFFF  }
0x4e: {  	s30 =	simm.s32 $0x3;
	[sflag:s2] =	ssyncpa.u1 $0x1  }
0x4f: {  	s31 =	simm.s32 $0x1;
	[sflag:s30] =	ssyncpa.u1 $0x1  }
0x50: {  	[sflag:s31] =	ssyncpa.u1 $0x1  }
0x51: {  	p0 =	sne.s32 s1, $0x0;
	_ =	strace $0x9000004D  }
0x52: {  	s0 =	sadd.s32 @!p0 $0x100000, s0;
	[bflag:$0x2] =	sbarrier.arrive $0xFFFF  }
0x53: {  	[sflag:s0] =	ssyncadd.tile.s32 @!p0 $0x1;
	_ =	shalt  }
.Lfunc_end2:
_tile_overlayer_lowered:
.L_overlay_start_2:
0x54: {  	(tag) =	ssettag $0x2  }
0x55: {  	s0 =	rddreg [dreg:$0x0];
	s2 =	stileid.u32  }
0x56: {  	s1 =	rddreg [dreg:$0x1];
	p0 =	sne.s32 s2, $0x0  }
0x57: {  	s3 =	rddreg [dreg:$0x2];
	[bflag:$0x3] =	sbarrier.arrive $0xFFFF;
	s2 =	simm.s32 @!p0 $0x1C01  }
0x58: {  	[timem:s3], [sflag:s2] =	dma.local @!p0 [hbm:s0], s1  }
0x59: {  	s0 =	simm.s32 @!p0 $0x1  }
0x5a: {  	_ =	swait.ge @!p0 [sflag:s0], s1  }
0x5b: {  	s1 =	ssub.s32 @!p0 $0x0, s1;
	[sflag:s0] =	ssyncset.done @!p0 $0x0  }
0x5c: {  	[sflag:s0] =	ssyncadd.s32 @!p0 s1  }
0x5d: {  	[bflag:$0x3] =	sbarrier.arrive $0xFFFF  }
0x5e: {  	_ =	shalt  }

// kernel: gather_offload_async_start.2
scs
__scs_entry_jumppad:
0x0: {  	(pc) =	sbr.rel $0x88, $3  }
0x1: {  	(tag) =	ssettag $0x0;
	lr =	simm.s32 $0x1  }
0x2: {  	[smem:$0x3F94] =	sst lr;
	_ =	strace $0xD0000000  }
0x3: {  	_ = 	snop  }
0x4: {  	_ = 	snop  }
0x5: {  	_ = 	snop  }
0x6: {  	_ = 	snop  }
0x7: {  	_ = 	snop  }
__scs_overlays_trampoline_lowered:
0x8: {  	[smem:$0x3FA3] =	sst s0  }
0x9: {  	[smem:$0x3FA4] =	sst s1  }
0xa: {  	[smem:$0x3FA5] =	sst s2  }
0xb: {  	[smem:$0x3FA6] =	sst s3  }
0xc: {  	[smem:$0x3FA7] =	sst s4  }
0xd: {  	[smem:$0x3FA8] =	sst s5  }
0xe: {  	[smem:$0x3FA9] =	sst s6  }
0xf: {  	[smem:$0x3FAA] =	sst s7  }
0x10: {  	[smem:$0x3FAB] =	sst s8  }
0x11: {  	[smem:$0x3FAC] =	sst s9;
	s0 =	simm.s32 @!p0 $0x0  }
0x12: {  	s1 =	sld [smem:$0x3F92];
	s0 =	simm.s32 @p0 $0x1  }
0x13: {  	[smem:$0x3FAD] =	sst s0;
	s0 =	simm.s32 @!p1 $0x0  }
0x14: {  	s2 =	sld [smem:$0x3F91];
	s0 =	simm.s32 @p1 $0x1  }
0x15: {  	[smem:$0x3FAE] =	sst s0;
	s0 =	simm.s32 @!p2 $0x0  }
0x16: {  	s3 =	sld [smem:$0x3FDB];
	s0 =	simm.s32 @p2 $0x1  }
0x17: {  	s4 =	simm.s32 $0x1BF5;
	[smem:$0x3FB0] =	sst s0  }
0x18: {  	s0 =	sld [smem:$0x3F93];
	_ =	swait.ge [sflag:s4], $0x0  }
0x19: {  	s7 =	sld [smem:$0x3F94]  }
0x1a: {  	s8 =	sadd.s32 $0xFFFFE003, lr  }
0x1b: {  	s9 =	sadd.s32 $0xFFFFFEF7, lr;
	s5 =	simm.s32 $0xFFFFFFFF;
	p2 =	slt.u32 s8, $0xFFFFF086  }
0x1c: {  	p1 =	slt.u32 s9, $0xF7A;
	s5 =	simm.s32 @!p2 $0x0  }
0x1d: {  	s5 =	simm.s32 @p1 $0x1;
	p0 =	seq.s32 s7, s2  }
0x1e: {  	s7 =	smul.u32 @!p0 $0xF7A, s2;
	p2 =	seq.s32 @!p0 s5, $0x0  }
0x1f: {  	s9 =	smul.u32 $0xF7A, s1;
	s8 =	simm.s32 @!p0 $0x1BF5;
	p2 =	por !p2, p0  }
0x20: {  	[sflag:s8] =	ssyncset.s32 @!p0 $0xFFFFF086;
	s6 =	sadd.s32 @!p0 s3, s7;
	s7 =	simm.s32 @!p0 $0x108  }
0x21: {  	s3 =	sadd.s32 s3, s9;
	s6 =	sadd.s32 @!p0 $0x88, s6;
	s7 =	simm.s32 @p2 $0x1082  }
0x22: {  	[simem:s7], [sflag:s8] =	dma.local @!p0 [hbm:s6], $0xF7A  }
0x23: {  	s9 =	sor.u32 $0xD0000000, s2;
	s6 =	simm.s32 $0x108;
	_ =	swait.ge @!p0 [sflag:s8], $0x0  }
0x24: {  	s3 =	sadd.s32 $0x88, s3;
	s6 =	simm.s32 @!p1 $0x1082;
	[sflag:s4] =	ssyncset.s32 $0xFFFFF086  }
0x25: {  	[simem:s6], [sflag:s4] =	dma.local [hbm:s3], $0xF7A  }
0x26: {  	[smem:$0x3F94] =	sst s1;
	(tag) =	ssettag s2;
	_ =	strace s9  }
0x27: {  	s1 =	sld [smem:$0x3FA4]  }
0x28: {  	s2 =	sld [smem:$0x3FA5]  }
0x29: {  	s4 =	sld [smem:$0x3FA7]  }
0x2a: {  	p0 =	seq.s32 s5, $0x0;
	s5 =	sld [smem:$0x3FA8]  }
0x2b: {  	s6 =	sld [smem:$0x3FA9]  }
0x2c: {  	s7 =	sld [smem:$0x3FAA]  }
0x2d: {  	s3 =	simm.s32 $0x108;
	s8 =	sld [smem:$0x3FAB]  }
0x2e: {  	s3 =	simm.s32 @!p0 $0x1082;
	s9 =	sld [smem:$0x3FAC]  }
0x2f: {  	lr =	sadd.s32 s0, s3;
	s0 =	sld [smem:$0x3FA3]  }
0x30: {  	s3 =	sld [smem:$0x3FA6]  }
0x31: {  	[smem:$0x3FAF] =	sst s10  }
0x32: {  	s10 =	sld [smem:$0x3FAD];
	_ =	sdelay $0x3  }
0x33: {  	p0 =	seq.s32 s10, $0x1;
	s10 =	sld [smem:$0x3FAF];
	_ =	sdelay $0x3  }
0x34: {  	[smem:$0x3FAF] =	sst s10  }
0x35: {  	s10 =	sld [smem:$0x3FAE];
	_ =	sdelay $0x3  }
0x36: {  	p1 =	seq.s32 s10, $0x1;
	s10 =	sld [smem:$0x3FAF];
	_ =	sdelay $0x3  }
0x37: {  	[smem:$0x3FAF] =	sst s10  }
0x38: {  	s10 =	sld [smem:$0x3FB0]  }
0x39: {  	_ = 	snop;
	(pc) =	sbr.ind lr, $3  }
0x3a: {  	_ = 	snop  }
0x3b: {  	_ = 	snop  }
0x3c: {  	p2 =	seq.s32 s10, $0x1;
	s10 =	sld [smem:$0x3FAF]  }
0x3d: {  	_ =	shalt  }
0x3e: {  	_ =	shalt  }
0x3f: {  	_ =	shalt  }
0x40: {  	_ =	shalt  }
0x41: {  	_ =	shalt  }
0x42: {  	_ =	shalt  }
0x43: {  	_ =	shalt  }
0x44: {  	_ =	shalt  }
0x45: {  	_ =	shalt  }
0x46: {  	_ =	shalt  }
0x47: {  	_ =	shalt  }
0x48: {  	_ =	shalt  }
0x49: {  	_ =	shalt  }
0x4a: {  	_ =	shalt  }
0x4b: {  	_ =	shalt  }
0x4c: {  	_ =	shalt  }
0x4d: {  	_ =	shalt  }
0x4e: {  	_ =	shalt  }
0x4f: {  	_ =	shalt  }
0x50: {  	_ =	shalt  }
0x51: {  	_ =	shalt  }
0x52: {  	_ =	shalt  }
0x53: {  	_ =	shalt  }
0x54: {  	_ =	shalt  }
0x55: {  	_ =	shalt  }
0x56: {  	_ =	shalt  }
0x57: {  	_ =	shalt  }
0x58: {  	_ =	shalt  }
0x59: {  	_ =	shalt  }
0x5a: {  	_ =	shalt  }
0x5b: {  	_ =	shalt  }
0x5c: {  	_ =	shalt  }
0x5d: {  	_ =	shalt  }
0x5e: {  	_ =	shalt  }
0x5f: {  	_ =	shalt  }
0x60: {  	_ =	shalt  }
0x61: {  	_ =	shalt  }
0x62: {  	_ =	shalt  }
0x63: {  	_ =	shalt  }
0x64: {  	_ =	shalt  }
0x65: {  	_ =	shalt  }
0x66: {  	_ =	shalt  }
0x67: {  	_ =	shalt  }
0x68: {  	_ =	shalt  }
0x69: {  	_ =	shalt  }
0x6a: {  	_ =	shalt  }
0x6b: {  	_ =	shalt  }
0x6c: {  	_ =	shalt  }
0x6d: {  	_ =	shalt  }
0x6e: {  	_ =	shalt  }
0x6f: {  	_ =	shalt  }
0x70: {  	_ =	shalt  }
0x71: {  	_ =	shalt  }
0x72: {  	_ =	shalt  }
0x73: {  	_ =	shalt  }
0x74: {  	_ =	shalt  }
0x75: {  	_ =	shalt  }
0x76: {  	_ =	shalt  }
0x77: {  	_ =	shalt  }
0x78: {  	_ =	shalt  }
0x79: {  	_ =	shalt  }
0x7a: {  	_ =	shalt  }
0x7b: {  	_ =	shalt  }
0x7c: {  	_ =	shalt  }
0x7d: {  	_ =	shalt  }
0x7e: {  	_ =	shalt  }
0x7f: {  	_ =	shalt  }
0x80: {  	_ =	shalt  }
0x81: {  	_ =	shalt  }
0x82: {  	_ =	shalt  }
0x83: {  	_ =	shalt  }
0x84: {  	_ =	shalt  }
0x85: {  	_ =	shalt  }
0x86: {  	_ =	shalt  }
0x87: {  	_ =	shalt  }
.Lfunc_end0:
.L_simem_size_0:
called_computation.2_lowered:
.L_overlay_start_0:
0x88: {  	s2 =	sld [smem:$0x3FD9]  }
0x89: {  	s3 =	sld [smem:$0x3FFE];
	_ =	sdelay $0x1  }
0x8a: {  	s1 =	srdreg.scid  }
0x8b: {  	s0 =	sand.u32 $0x1, s1  }
0x8c: {  	s17 =	sshll.u32 s0, $0xA;
	s2 =	sadd.s32 s3, s2  }
0x8d: {  	s2 =	sadd.s32 s2, s17  }
0x8e: {  	[smem:$0x3FBB] =	sst s2  }
0x8f: {  	_ = 	snop  }
0x90: {  	(tm) =	ssettm $0x1  }
0x91: {  	s18 =	sld [smem:$0x3FFB];
	_ =	sdelay $0x3  }
0x92: {  	_ =	strace s18  }
0x93: {  	s2 =	sld [smem:$0x3FFC];
	_ =	sdelay $0x3  }
0x94: {  	_ =	strace s2  }
0x95: {  	s2 =	sld [smem:$0x3FFD];
	_ =	sdelay $0x3  }
0x96: {  	_ =	strace s2  }
0x97: {  	_ =	strace $0x8FFFFFFF  }
0x98: {  	s19 =	sld [smem:$0x3FDB];
	_ =	sdelay $0x1  }
0x99: {  	s20 =	simm.s32 $_scs_section_size  }
0x9a: {  	s4 =	simm.s32 $_size__tile_overlayer_lowered;
	s5 =	simm.s32 $_tile_overlayer_lowered  }
0x9b: {  	s6 =	simm.s32 $0x1BFF;
	s21 =	sshll.u32 s5, $0x1;
	s3 =	sadd.s32 s20, s19  }
0x9c: {  	s22 =	simm.s32 $0x0;
	s4 =	sshll.u32 s4, $0x1;
	s5 =	sadd.s32 s21, s3  }
0x9d: {  	[timem:s22], [sflag:s6] =	dma.local [hbm:s5], s4  }
0x9e: {  	_ =	swait.ge [sflag:s6], s4  }
0x9f: {  	s4 =	ssub.s32 $0x0, s4;
	[sflag:s6] =	ssyncset.done $0x0  }
0xa0: {  	[sflag:s6] =	ssyncadd.s32 s4;
	_ =	sdelay $0x1  }
0xa1: {  	s23 =	simm.s32 $0x1B8B  }
0xa2: {  	_ =	swait.ge [sflag:s23], $0x1  }
0xa3: {  	[sflag:s23] =	ssyncset.done $0x0  }
0xa4: {  	[sflag:s23] =	ssyncadd.s32 $0xFFFFFFFF  }
0xa5: {  	s4 =	sld [smem:$0x0]  }
0xa6: {  	s5 =	sand.u32 $0xFFFFFFFE, s1  }
0xa7: {  	p0 =	sne.s32 s1, s5  }
0xa8: {  	s5 =	sshll.u32 @p0 s5, $0xE  }
0xa9: {  	s5 =	sadd.s32 @p0 $0x11B8D, s5;
	s6 =	sshll.u32 @p0 s4, $0x11  }
0xaa: {  	s5 =	sor.u32 @p0 s6, s5  }
0xab: {  	[sflag:s5] =	ssyncadd.remote.s32 @p0 $0x1;
	_ =	sdelay $0x1  }
0xac: {  	s5 =	simm.s32 @p0 $0x1B8D  }
0xad: {  	_ =	swait.eq @p0 [sflag:s5], $0x1  }
0xae: {  	[sflag:s5] =	ssyncadd.s32 @p0 $0xFFFFFFFF  }
0xaf: {  	s6 =	sshll.u32 @!p0 s1, $0xE  }
0xb0: {  	s6 =	sor.u32 @!p0 $0x4000, s6;
	s5 =	simm.s32 @!p0 $0x1B8D  }
0xb1: {  	s4 =	sshll.u32 @!p0 s4, $0x11;
	s6 =	sadd.s32 @!p0 $0x11B8D, s6;
	_ =	swait.eq @!p0 [sflag:s5], $0x1  }
0xb2: {  	s4 =	sor.u32 @!p0 s4, s6;
	[sflag:s5] =	ssyncadd.s32 @!p0 $0xFFFFFFFF  }
0xb3: {  	s25 =	simm.s32 $0x1B8E;
	s24 =	sld [smem:$0x3FFE];
	[sflag:s4] =	ssyncadd.remote.s32 @!p0 $0x1  }
0xb4: {  	s26 =	simm.s32 $execute0_lowered;
	[smem:$0x3FD2] =	sst s25  }
0xb5: {  	s5 =	sshll.u32 s26, $0x1;
	_ =	strace $0x80000049;
	[dreg:$0x1] =	wrdreg $0xFFFFFFFF  }
0xb6: {  	s28 =	simm.s32 $_size_execute0_lowered;
	s3 =	sadd.s32 s3, s5;
	[dreg:$0x0] =	wrdreg $0x0  }
0xb7: {  	s5 =	sshll.u32 s28, $0x1;
	[dreg:$0x2] =	wrdreg s3  }
0xb8: {  	[dreg:$0x3] =	wrdreg s5  }
0xb9: {  	[dreg:$0x4] =	wrdreg $0xC0  }
0xba: {  	_ =	task [dreg:s22], $0x5FFFF  }
0xbb: {  	[dreg:$0x1] =	wrdreg $0xFFFFFFFF  }
0xbc: {  	[dreg:$0x0] =	wrdreg $0x60  }
0xbd: {  	[dreg:$0x2] =	wrdreg s24  }
0xbe: {  	[dreg:$0x3] =	wrdreg $0xA  }
0xbf: {  	_ =	task.clear_ibuf [dreg:s22], $0x4FFFF;
	_ =	strace $0x90000049  }
0xc0: {  	s29 =	simm.s32 $0xA;
	_ =	strace $0x8000004B  }
0xc1: {  	_ =	swait.ge [sflag:s29], $0x1  }
0xc2: {  	[sflag:s29] =	ssyncadd.s32 $0xFFFFFFFF  }
0xc3: {  	_ =	strace $0x9000004B  }
0xc4: {  	_ =	sfence  }
0xc5: {  	s30 =	sld [smem:$0x0];
	_ =	sdelay $0x2  }
0xc6: {  	s31 =	sshll.u32 s1, $0xD;
	s1 =	sshrl.u32 s1, $0x2  }
0xc7: {  	s4 =	sand.u32 $0x4000, s31;
	s1 =	sadd.s32 s1, s30  }
0xc8: {  	s0 =	sor.u32 s4, s0;
	s1 =	sshll.u32 s1, $0x11  }
0xc9: {  	s0 =	sor.u32 s1, s0  }
0xca: {  	s0 =	sadd.s32 $0x8F2B, s0  }
0xcb: {  	[sflag:s0] =	ssyncadd.remote.s32 $0x1  }
0xcc: {  	_ =	sfence.sel $0xFFFF  }
0xcd: {  	[dreg:$0x0] =	wrdreg $0xFFFFFFFF;
	(pc) =	sbr.abs _section_cstart, $3  }
0xce: {  	[dreg:$0x1] =	wrdreg $0xFFFFFFFF  }
0xcf: {  	_ =	task.clear_ibuf [dreg:s22], $0x2FFFF;
	_ =	strace $0x9FFFFFFF  }
0xd0: {  	(tm) =	ssettm $0x7FFFFFFF  }
0xd1: {  	_ =	shalt  }
tec
execute0_lowered:
.L_overlay_start_1:
0x0: {  	(tag) =	ssettag $0x1  }
0x1: {  	s8 =	rddreg [dreg:$0x0];
	s1 =	stileid.u32  }
0x2: {  	s2 =	srdreg.scid;
	s0 =	rddreg [dreg:$0x1]  }
0x3: {  	_ =	strace $0x8000004A;
	s5 =	simm.s32 $0x1;
	s9 =	simm.s32 $0x1  }
0x4: {  	s10 =	simm.s32 $0x3;
	s2 =	sand.u32 $0x1, s2;
	s3 =	sshll.u32 s1, $0x1  }
0x5: {  	s13 =	simm.s32 $0x0;
	s12 =	simm.s32 $0x0;
	s6 =	sor.u32 s3, s2  }
0x6: {  	[sflag:s5] =	ssyncpa.u1 $0x0;
	s2 =	sadd.s32 $0x2800, s8;
	s4 =	smul.u32 $0xA00, s6  }
0x7: {  	s3 =	sadd.s32 $0x5A00, s8;
	p0 =	slt.u32 s6, $0x9;
	s6 =	simm.s32 $0x14000  }
.Ltmp0:
0x8: {  	s6 =	simm.s32 @!p0 $0x0;
	s7 =	ssub.s32 $0x19000, s4;
	(pc) =	sbr.rel .LBB2_1-.Ltmp0, $4  }
0x9: {  	s9 =	simm.s32 @!p0 $0x0;
	p0 =	sne.s32 s7, s6;
	s7 =	simm.s32 $0x1  }
0xa: {  	s8 =	sadd.s32 $0xF000, s8;
	s6 =	simm.s32 $0x2;
	s7 =	simm.s32 @!p0 $0x0  }
0xb: {  	s11 =	smov.u32 s4;
	[sflag:s6] =	ssyncpa.u1 $0x0;
	s7 =	sadd.s32 s9, s7  }
0xc: {  	vm0 =	vmmov $0xffff;
	[sflag:s10] =	ssyncpa.u1 $0x0;
	s10 =	simm.s32 $0x0;
	s9 =	sadd.s32 $0x1, s7  }
.LBB2_4:
0xd: {  	v2 =	vnsel vm1, $0x0, v2  }
0xe: {  	vm1 =	vgt.s32 v0, $0x0;
	v2 =	vmin.u32 v2, $0x18FFF  }
0xf: {  	v0 =	vnsel vm1, $0x0, v0  }
0x10: {  	v0 =	vmin.u32 v0, $0x18FFF  }
0x11: {  	[tilespmem:s18], [sflag:$0x1] =	stream.indirect_vreg.gather [hbm4b:s2+s10], $0x1, v1, vm0, $0x4038;
	[tilespmem:$0x2800] =	vst v63  }
0x12: {  	(ifvalue) =	ssetifvalue $0x7FFFFFFF  }
0x13: {  	[tilespmem:s15], [sflag:$0x1] =	stream.indirect_vreg.gather [hbm4b:s2+s10], $0x1, v2, vm0, $0x4038;
	[tilespmem:$0x2800] =	vst v63  }
0x14: {  	s29 =	sadd.s32 $0x10, s15;
	(ifvalue) =	ssetifvalue $0x7FFFFFFF  }
0x15: {  	[tilespmem:s29], [sflag:$0x1] =	stream.indirect_vreg.gather [hbm4b:s2+s10], $0x1, v0, vm0, $0x4038;
	[tilespmem:$0x2800] =	vst v63  }
0x16: {  	_ =	swait.ge [sflag:s5], $0xA00  }
0x17: {  	s30 =	sshrl.u32 s13, $0x3;
	[sflag:s5] =	ssyncset.done $0x0  }
0x18: {  	s31 =	sand.u32 $0x7, s13;
	s15 =	sadd.s32 s8, s30;
	[sflag:s5] =	ssyncadd.s32 $0xFFFFF600  }
0x19: {  	[hbm4b:s15+s31] =	stream.linear.scatter [tilespmem:s14], [sflag:$0x3], $0xA00, $0x38;
	[tilespmem:$0x2800] =	vst v63  }
.LBB2_5:
0x1a: {  	s15 =	sadd.s32 $0x14000, s11  }
0x1b: {  	p1 =	sgt.s32 s15, $0x18FFF  }
0x1c: {  	s15 =	smov.u32 @p1 s4;
	p1 =	sne.s32 s12, s9  }
.Ltmp1:
0x1d: {  	p0 =	slt.u32 s12, $0x2;
	(pc) =	sbr.rel @!p1 .LBB2_6-.Ltmp1, $4  }
0x1e: {  	s14 =	simm.s32 @!p0 $0x3  }
0x1f: {  	_ =	swait.ge @!p0 [sflag:s14], $0xA00  }
0x20: {  	s16 =	sadd.s32 $0x1, s12;
	s13 =	smov.u32 s11;
	[sflag:s14] =	ssyncset.done @!p0 $0x0  }
0x21: {  	s12 =	smov.u32 s16;
	s11 =	smov.u32 s15;
	[sflag:s14] =	ssyncadd.s32 @!p0 $0xFFFFF600  }
.LBB2_1:
0x22: {  	p0 =	sge.u32 s12, s7  }
0x23: {  	s14 =	sxor.u32 @!p0 $0x1, s12  }
0x24: {  	s14 =	smul.u32 @!p0 $0x2800, s14  }
0x25: {  	s31 =	sadd.s32 $0xFFFFFFFF, s12;
	s15 =	sshrl.u32 @!p0 s11, $0x3  }
0x26: {  	s16 =	sand.u32 @!p0 $0x7, s11;
	s15 =	sadd.s32 @!p0 s3, s15;
	s14 =	sshra.s32 @!p0 s14, $0x2  }
0x27: {  	[tilespmem:s14], [sflag:$0x2] =	stream.linear.gather @!p0 [hbm4b:s15+s16], $0xA00, $0x38;
	[tilespmem:$0x2800] =	vst v63  }
0x28: {  	p0 =	sge.u32 s31, s7  }
.Ltmp2:
0x29: {  	_ = 	snop;
	(pc) =	sbr.rel @p0 .LBB2_5-.Ltmp2, $1  }
0x2a: {  	_ =	sdelay $0x3  }
0x2b: {  	s14 =	sand.u32 $0x1, s12  }
0x2c: {  	_ =	swait.ge [sflag:s6], $0xA00;
	p0 =	seq.s32 s14, $0x1;
	s14 =	simm.s32 $0xA00  }
0x2d: {  	[sflag:s6] =	ssyncset.done $0x0;
	s14 =	simm.s32 @!p0 $0x0  }
0x2e: {  	[sflag:s6] =	ssyncadd.s32 $0xFFFFF600;
	(ifvalue) =	ssetifvalue $0x7FFFFFFF;
	v0 =	vld.msk [tilespmem:s14+$0x0 ss:$0x1], $0xffff;
	_ =	sdelay $0x4  }
0x2f: {  	s15 =	sadd.s32 $0x10, s14;
	vm1 =	vgt.s32 v0, $0x0  }
0x30: {  	v2 =	vld.msk [tilespmem:s15+$0x0 ss:$0x1], $0xffff;
	v1 =	vnsel vm1, $0x0, v0  }
0x31: {  	v1 =	vmin.u32 v1, $0x18FFF;
	_ =	sdelay $0x2  }
0x32: {  	s17 =	simm.s32 $0x20;
	s14 =	sor.u32 $0x1400, s14;
	s16 =	sadd.s32 $0x10, s15  }
0x33: {  	s15 =	sadd.s32 $0x10, s14;
	s18 =	smov.u32 s14;
	v0 =	vld.msk [tilespmem:s16+$0x0 ss:$0x1], $0xffff;
	vm1 =	vgt.s32 v2, $0x0;
	(ifvalue) =	ssetifvalue $0x7FFFFFFF  }
.LBB2_3:
0x34: {  	[tilespmem:s18], [sflag:$0x1] =	stream.indirect_vreg.gather [hbm4b:s2+s10], $0x1, v1, vm0, $0x4038;
	[tilespmem:$0x2800] =	vst v63  }
0x35: {  	s17 =	sadd.s32 $0x10, s17  }
0x36: {  	v2 =	vnsel vm1, $0x0, v2;
	p0 =	slt.u32 s17, $0x9F0  }
.Ltmp3:
0x37: {  	s18 =	smov.u32 s15;
	v1 =	vmin.u32 v2, $0x18FFF;
	(pc) =	sbr.rel @p0 .LBB2_3-.Ltmp3, $3  }
0x38: {  	_ =	sdelay $0x1  }
0x39: {  	s16 =	sadd.s32 $0x10, s16  }
0x3a: {  	vm1 =	vgt.s32 v0, $0x0;
	s15 =	sadd.s32 $0x10, s15;
	v2 =	vmov v0;
	(ifvalue) =	ssetifvalue $0x7FFFFFFF;
	v0 =	vld.msk [tilespmem:s16+$0x0 ss:$0x1], $0xffff  }
.Ltmp4:
0x3b: {  	_ = 	snop;
	(pc) =	sbr.rel .LBB2_4-.Ltmp4, $1  }
0x3c: {  	_ =	sdelay $0x3  }
.LBB2_6:
0x3d: {  	_ =	sfence.sel $0x180000  }
0x3e: {  	s2 =	simm.s32 $0x2;
	[bflag:$0x0] =	sbarrier.arrive $0xFFFF  }
0x3f: {  	s30 =	simm.s32 $0x3;
	[sflag:s2] =	ssyncpa.u1 $0x1  }
0x40: {  	s31 =	simm.s32 $0x1;
	[sflag:s30] =	ssyncpa.u1 $0x1  }
0x41: {  	[sflag:s31] =	ssyncpa.u1 $0x1  }
0x42: {  	p0 =	sne.s32 s1, $0x0;
	_ =	strace $0x9000004A  }
0x43: {  	s0 =	sadd.s32 @!p0 $0x100000, s0;
	[bflag:$0x2] =	sbarrier.arrive $0xFFFF  }
0x44: {  	[sflag:s0] =	ssyncadd.tile.s32 @!p0 $0x1;
	_ =	shalt  }
.Lfunc_end2:
_tile_overlayer_lowered:
.L_overlay_start_2:
0x45: {  	(tag) =	ssettag $0x2  }
0x46: {  	s0 =	rddreg [dreg:$0x0];
	s2 =	stileid.u32  }
0x47: {  	s1 =	rddreg [dreg:$0x1];
	p0 =	sne.s32 s2, $0x0  }
0x48: {  	s3 =	rddreg [dreg:$0x2];
	[bflag:$0x3] =	sbarrier.arrive $0xFFFF;
	s2 =	simm.s32 @!p0 $0x1C01  }
0x49: {  	[timem:s3], [sflag:s2] =	dma.local @!p0 [hbm:s0], s1  }
0x4a: {  	s0 =	simm.s32 @!p0 $0x1  }
0x4b: {  	_ =	swait.ge @!p0 [sflag:s0], s1  }
0x4c: {  	s1 =	ssub.s32 @!p0 $0x0, s1;
	[sflag:s0] =	ssyncset.done @!p0 $0x0  }
0x4d: {  	[sflag:s0] =	ssyncadd.s32 @!p0 s1  }
0x4e: {  	[bflag:$0x3] =	sbarrier.arrive $0xFFFF  }
0x4f: {  	_ =	shalt  }

// kernel: gather_offload_async_start
scs
__scs_entry_jumppad:
0x0: {  	(pc) =	sbr.rel $0x88, $3  }
0x1: {  	(tag) =	ssettag $0x0;
	lr =	simm.s32 $0x1  }
0x2: {  	[smem:$0x3F94] =	sst lr;
	_ =	strace $0xD0000000  }
0x3: {  	_ = 	snop  }
0x4: {  	_ = 	snop  }
0x5: {  	_ = 	snop  }
0x6: {  	_ = 	snop  }
0x7: {  	_ = 	snop  }
__scs_overlays_trampoline_lowered:
0x8: {  	[smem:$0x3FA3] =	sst s0  }
0x9: {  	[smem:$0x3FA4] =	sst s1  }
0xa: {  	[smem:$0x3FA5] =	sst s2  }
0xb: {  	[smem:$0x3FA6] =	sst s3  }
0xc: {  	[smem:$0x3FA7] =	sst s4  }
0xd: {  	[smem:$0x3FA8] =	sst s5  }
0xe: {  	[smem:$0x3FA9] =	sst s6  }
0xf: {  	[smem:$0x3FAA] =	sst s7  }
0x10: {  	[smem:$0x3FAB] =	sst s8  }
0x11: {  	[smem:$0x3FAC] =	sst s9;
	s0 =	simm.s32 @!p0 $0x0  }
0x12: {  	s1 =	sld [smem:$0x3F92];
	s0 =	simm.s32 @p0 $0x1  }
0x13: {  	[smem:$0x3FAD] =	sst s0;
	s0 =	simm.s32 @!p1 $0x0  }
0x14: {  	s2 =	sld [smem:$0x3F91];
	s0 =	simm.s32 @p1 $0x1  }
0x15: {  	[smem:$0x3FAE] =	sst s0;
	s0 =	simm.s32 @!p2 $0x0  }
0x16: {  	s3 =	sld [smem:$0x3FDB];
	s0 =	simm.s32 @p2 $0x1  }
0x17: {  	s4 =	simm.s32 $0x1BF5;
	[smem:$0x3FB0] =	sst s0  }
0x18: {  	s0 =	sld [smem:$0x3F93];
	_ =	swait.ge [sflag:s4], $0x0  }
0x19: {  	s7 =	sld [smem:$0x3F94]  }
0x1a: {  	s8 =	sadd.s32 $0xFFFFE003, lr  }
0x1b: {  	s9 =	sadd.s32 $0xFFFFFEF7, lr;
	s5 =	simm.s32 $0xFFFFFFFF;
	p2 =	slt.u32 s8, $0xFFFFF086  }
0x1c: {  	p1 =	slt.u32 s9, $0xF7A;
	s5 =	simm.s32 @!p2 $0x0  }
0x1d: {  	s5 =	simm.s32 @p1 $0x1;
	p0 =	seq.s32 s7, s2  }
0x1e: {  	s7 =	smul.u32 @!p0 $0xF7A, s2;
	p2 =	seq.s32 @!p0 s5, $0x0  }
0x1f: {  	s9 =	smul.u32 $0xF7A, s1;
	s8 =	simm.s32 @!p0 $0x1BF5;
	p2 =	por !p2, p0  }
0x20: {  	[sflag:s8] =	ssyncset.s32 @!p0 $0xFFFFF086;
	s6 =	sadd.s32 @!p0 s3, s7;
	s7 =	simm.s32 @!p0 $0x108  }
0x21: {  	s3 =	sadd.s32 s3, s9;
	s6 =	sadd.s32 @!p0 $0x88, s6;
	s7 =	simm.s32 @p2 $0x1082  }
0x22: {  	[simem:s7], [sflag:s8] =	dma.local @!p0 [hbm:s6], $0xF7A  }
0x23: {  	s9 =	sor.u32 $0xD0000000, s2;
	s6 =	simm.s32 $0x108;
	_ =	swait.ge @!p0 [sflag:s8], $0x0  }
0x24: {  	s3 =	sadd.s32 $0x88, s3;
	s6 =	simm.s32 @!p1 $0x1082;
	[sflag:s4] =	ssyncset.s32 $0xFFFFF086  }
0x25: {  	[simem:s6], [sflag:s4] =	dma.local [hbm:s3], $0xF7A  }
0x26: {  	[smem:$0x3F94] =	sst s1;
	(tag) =	ssettag s2;
	_ =	strace s9  }
0x27: {  	s1 =	sld [smem:$0x3FA4]  }
0x28: {  	s2 =	sld [smem:$0x3FA5]  }
0x29: {  	s4 =	sld [smem:$0x3FA7]  }
0x2a: {  	p0 =	seq.s32 s5, $0x0;
	s5 =	sld [smem:$0x3FA8]  }
0x2b: {  	s6 =	sld [smem:$0x3FA9]  }
0x2c: {  	s7 =	sld [smem:$0x3FAA]  }
0x2d: {  	s3 =	simm.s32 $0x108;
	s8 =	sld [smem:$0x3FAB]  }
0x2e: {  	s3 =	simm.s32 @!p0 $0x1082;
	s9 =	sld [smem:$0x3FAC]  }
0x2f: {  	lr =	sadd.s32 s0, s3;
	s0 =	sld [smem:$0x3FA3]  }
0x30: {  	s3 =	sld [smem:$0x3FA6]  }
0x31: {  	[smem:$0x3FAF] =	sst s10  }
0x32: {  	s10 =	sld [smem:$0x3FAD];
	_ =	sdelay $0x3  }
0x33: {  	p0 =	seq.s32 s10, $0x1;
	s10 =	sld [smem:$0x3FAF];
	_ =	sdelay $0x3  }
0x34: {  	[smem:$0x3FAF] =	sst s10  }
0x35: {  	s10 =	sld [smem:$0x3FAE];
	_ =	sdelay $0x3  }
0x36: {  	p1 =	seq.s32 s10, $0x1;
	s10 =	sld [smem:$0x3FAF];
	_ =	sdelay $0x3  }
0x37: {  	[smem:$0x3FAF] =	sst s10  }
0x38: {  	s10 =	sld [smem:$0x3FB0]  }
0x39: {  	_ = 	snop;
	(pc) =	sbr.ind lr, $3  }
0x3a: {  	_ = 	snop  }
0x3b: {  	_ = 	snop  }
0x3c: {  	p2 =	seq.s32 s10, $0x1;
	s10 =	sld [smem:$0x3FAF]  }
0x3d: {  	_ =	shalt  }
0x3e: {  	_ =	shalt  }
0x3f: {  	_ =	shalt  }
0x40: {  	_ =	shalt  }
0x41: {  	_ =	shalt  }
0x42: {  	_ =	shalt  }
0x43: {  	_ =	shalt  }
0x44: {  	_ =	shalt  }
0x45: {  	_ =	shalt  }
0x46: {  	_ =	shalt  }
0x47: {  	_ =	shalt  }
0x48: {  	_ =	shalt  }
0x49: {  	_ =	shalt  }
0x4a: {  	_ =	shalt  }
0x4b: {  	_ =	shalt  }
0x4c: {  	_ =	shalt  }
0x4d: {  	_ =	shalt  }
0x4e: {  	_ =	shalt  }
0x4f: {  	_ =	shalt  }
0x50: {  	_ =	shalt  }
0x51: {  	_ =	shalt  }
0x52: {  	_ =	shalt  }
0x53: {  	_ =	shalt  }
0x54: {  	_ =	shalt  }
0x55: {  	_ =	shalt  }
0x56: {  	_ =	shalt  }
0x57: {  	_ =	shalt  }
0x58: {  	_ =	shalt  }
0x59: {  	_ =	shalt  }
0x5a: {  	_ =	shalt  }
0x5b: {  	_ =	shalt  }
0x5c: {  	_ =	shalt  }
0x5d: {  	_ =	shalt  }
0x5e: {  	_ =	shalt  }
0x5f: {  	_ =	shalt  }
0x60: {  	_ =	shalt  }
0x61: {  	_ =	shalt  }
0x62: {  	_ =	shalt  }
0x63: {  	_ =	shalt  }
0x64: {  	_ =	shalt  }
0x65: {  	_ =	shalt  }
0x66: {  	_ =	shalt  }
0x67: {  	_ =	shalt  }
0x68: {  	_ =	shalt  }
0x69: {  	_ =	shalt  }
0x6a: {  	_ =	shalt  }
0x6b: {  	_ =	shalt  }
0x6c: {  	_ =	shalt  }
0x6d: {  	_ =	shalt  }
0x6e: {  	_ =	shalt  }
0x6f: {  	_ =	shalt  }
0x70: {  	_ =	shalt  }
0x71: {  	_ =	shalt  }
0x72: {  	_ =	shalt  }
0x73: {  	_ =	shalt  }
0x74: {  	_ =	shalt  }
0x75: {  	_ =	shalt  }
0x76: {  	_ =	shalt  }
0x77: {  	_ =	shalt  }
0x78: {  	_ =	shalt  }
0x79: {  	_ =	shalt  }
0x7a: {  	_ =	shalt  }
0x7b: {  	_ =	shalt  }
0x7c: {  	_ =	shalt  }
0x7d: {  	_ =	shalt  }
0x7e: {  	_ =	shalt  }
0x7f: {  	_ =	shalt  }
0x80: {  	_ =	shalt  }
0x81: {  	_ =	shalt  }
0x82: {  	_ =	shalt  }
0x83: {  	_ =	shalt  }
0x84: {  	_ =	shalt  }
0x85: {  	_ =	shalt  }
0x86: {  	_ =	shalt  }
0x87: {  	_ =	shalt  }
.Lfunc_end0:
.L_simem_size_0:
called_computation_lowered:
.L_overlay_start_0:
0x88: {  	s2 =	sld [smem:$0x3FD9]  }
0x89: {  	s3 =	sld [smem:$0x3FFE];
	_ =	sdelay $0x1  }
0x8a: {  	s1 =	srdreg.scid  }
0x8b: {  	s0 =	sand.u32 $0x1, s1  }
0x8c: {  	s16 =	sshll.u32 s0, $0xA;
	s2 =	sadd.s32 s3, s2  }
0x8d: {  	s2 =	sadd.s32 s2, s16  }
0x8e: {  	[smem:$0x3FBB] =	sst s2  }
0x8f: {  	_ = 	snop  }
0x90: {  	(tm) =	ssettm $0x1  }
0x91: {  	s17 =	sld [smem:$0x3FFB];
	_ =	sdelay $0x3  }
0x92: {  	_ =	strace s17  }
0x93: {  	s2 =	sld [smem:$0x3FFC];
	_ =	sdelay $0x3  }
0x94: {  	_ =	strace s2  }
0x95: {  	s2 =	sld [smem:$0x3FFD];
	_ =	sdelay $0x3  }
0x96: {  	_ =	strace s2  }
0x97: {  	_ =	strace $0x8FFFFFFF  }
0x98: {  	s18 =	sld [smem:$0x3FDB];
	_ =	sdelay $0x1  }
0x99: {  	s19 =	simm.s32 $_scs_section_size  }
0x9a: {  	s4 =	simm.s32 $_size__tile_overlayer_lowered;
	s5 =	simm.s32 $_tile_overlayer_lowered  }
0x9b: {  	s22 =	simm.s32 $0x1BFF;
	s21 =	sshll.u32 s5, $0x1;
	s2 =	sadd.s32 s19, s18  }
0x9c: {  	s6 =	simm.s32 $0x0;
	s20 =	sshll.u32 s4, $0x1;
	s4 =	sadd.s32 s21, s2  }
0x9d: {  	[timem:s6], [sflag:s22] =	dma.local [hbm:s4], s20  }
0x9e: {  	_ =	swait.ge [sflag:s22], s20  }
0x9f: {  	s3 =	ssub.s32 $0x0, s20;
	[sflag:s22] =	ssyncset.done $0x0  }
0xa0: {  	[sflag:s22] =	ssyncadd.s32 s3;
	_ =	sdelay $0x1  }
0xa1: {  	s23 =	simm.s32 $0x1B8B  }
0xa2: {  	_ =	swait.ge [sflag:s23], $0x1  }
0xa3: {  	[sflag:s23] =	ssyncset.done $0x0  }
0xa4: {  	s25 =	simm.s32 $0x1B8E;
	s24 =	sld [smem:$0x3FFE];
	[sflag:s23] =	ssyncadd.s32 $0xFFFFFFFF  }
0xa5: {  	s26 =	simm.s32 $execute0_lowered;
	[smem:$0x3FD2] =	sst s25  }
0xa6: {  	s4 =	sshll.u32 s26, $0x1;
	_ =	strace $0x80000046;
	[dreg:$0x1] =	wrdreg $0xFFFFFFFF  }
0xa7: {  	s28 =	simm.s32 $_size_execute0_lowered;
	s2 =	sadd.s32 s2, s4;
	[dreg:$0x0] =	wrdreg $0x0  }
0xa8: {  	s4 =	sshll.u32 s28, $0x1;
	[dreg:$0x2] =	wrdreg s2  }
0xa9: {  	[dreg:$0x3] =	wrdreg s4  }
0xaa: {  	[dreg:$0x4] =	wrdreg $0xC0  }
0xab: {  	_ =	task [dreg:s6], $0x5FFFF  }
0xac: {  	[dreg:$0x1] =	wrdreg $0xFFFFFFFF  }
0xad: {  	[dreg:$0x0] =	wrdreg $0x60  }
0xae: {  	[dreg:$0x2] =	wrdreg s24  }
0xaf: {  	[dreg:$0x3] =	wrdreg $0xB  }
0xb0: {  	_ =	task.clear_ibuf [dreg:s6], $0x4FFFF;
	_ =	strace $0x90000046  }
0xb1: {  	s29 =	simm.s32 $0xB;
	_ =	strace $0x80000048  }
0xb2: {  	_ =	swait.ge [sflag:s29], $0x1  }
0xb3: {  	[sflag:s29] =	ssyncadd.s32 $0xFFFFFFFF  }
0xb4: {  	_ =	strace $0x90000048  }
0xb5: {  	_ =	sfence  }
0xb6: {  	s30 =	sld [smem:$0x0];
	_ =	sdelay $0x2  }
0xb7: {  	s31 =	sshll.u32 s1, $0xD;
	s1 =	sshrl.u32 s1, $0x2  }
0xb8: {  	s3 =	sand.u32 $0x4000, s31;
	s1 =	sadd.s32 s1, s30  }
0xb9: {  	s0 =	sor.u32 s3, s0;
	s1 =	sshll.u32 s1, $0x11  }
0xba: {  	s0 =	sor.u32 s1, s0  }
0xbb: {  	s0 =	sadd.s32 $0x8F2B, s0  }
0xbc: {  	[sflag:s0] =	ssyncadd.remote.s32 $0x1  }
0xbd: {  	_ =	sfence.sel $0xFFFF  }
0xbe: {  	[dreg:$0x0] =	wrdreg $0xFFFFFFFF;
	(pc) =	sbr.abs _section_cstart, $3  }
0xbf: {  	[dreg:$0x1] =	wrdreg $0xFFFFFFFF  }
0xc0: {  	_ =	task.clear_ibuf [dreg:s6], $0x2FFFF;
	_ =	strace $0x9FFFFFFF  }
0xc1: {  	(tm) =	ssettm $0x7FFFFFFF  }
tec
execute0_lowered:
.L_overlay_start_1:
0x0: {  	(tag) =	ssettag $0x1  }
0x1: {  	s8 =	rddreg [dreg:$0x0];
	s1 =	stileid.u32  }
0x2: {  	s2 =	srdreg.scid;
	s0 =	rddreg [dreg:$0x1]  }
0x3: {  	_ =	strace $0x80000047;
	s5 =	simm.s32 $0x1;
	s9 =	simm.s32 $0x1  }
0x4: {  	s10 =	simm.s32 $0x3;
	s2 =	sand.u32 $0x1, s2;
	s3 =	sshll.u32 s1, $0x1  }
0x5: {  	s13 =	simm.s32 $0x0;
	s12 =	simm.s32 $0x0;
	s6 =	sor.u32 s3, s2  }
0x6: {  	[sflag:s5] =	ssyncpa.u1 $0x0;
	s2 =	sadd.s32 $0x8C00, s8;
	s4 =	smul.u32 $0xA00, s6  }
0x7: {  	s3 =	sadd.s32 $0x5A00, s8;
	p0 =	slt.u32 s6, $0x9;
	s6 =	simm.s32 $0x14000  }
.Ltmp0:
0x8: {  	s6 =	simm.s32 @!p0 $0x0;
	s7 =	ssub.s32 $0x19000, s4;
	(pc) =	sbr.rel .LBB2_1-.Ltmp0, $4  }
0x9: {  	s9 =	simm.s32 @!p0 $0x0;
	p0 =	sne.s32 s7, s6;
	s7 =	simm.s32 $0x1  }
0xa: {  	s8 =	sadd.s32 $0xBE00, s8;
	s6 =	simm.s32 $0x2;
	s7 =	simm.s32 @!p0 $0x0  }
0xb: {  	s11 =	smov.u32 s4;
	[sflag:s6] =	ssyncpa.u1 $0x0;
	s7 =	sadd.s32 s9, s7  }
0xc: {  	vm0 =	vmmov $0xffff;
	[sflag:s10] =	ssyncpa.u1 $0x0;
	s10 =	simm.s32 $0x0;
	s9 =	sadd.s32 $0x1, s7  }
.LBB2_4:
0xd: {  	v2 =	vnsel vm1, $0x0, v2  }
0xe: {  	vm1 =	vgt.s32 v0, $0x0;
	v2 =	vmin.u32 v2, $0x18FFF  }
0xf: {  	v0 =	vnsel vm1, $0x0, v0  }
0x10: {  	v0 =	vmin.u32 v0, $0x18FFF  }
0x11: {  	[tilespmem:s18], [sflag:$0x1] =	stream.indirect_vreg.gather [hbm4b:s2+s10], $0x1, v1, vm0, $0x4038;
	[tilespmem:$0x2800] =	vst v63  }
0x12: {  	(ifvalue) =	ssetifvalue $0x7FFFFFFF  }
0x13: {  	[tilespmem:s15], [sflag:$0x1] =	stream.indirect_vreg.gather [hbm4b:s2+s10], $0x1, v2, vm0, $0x4038;
	[tilespmem:$0x2800] =	vst v63  }
0x14: {  	s29 =	sadd.s32 $0x10, s15;
	(ifvalue) =	ssetifvalue $0x7FFFFFFF  }
0x15: {  	[tilespmem:s29], [sflag:$0x1] =	stream.indirect_vreg.gather [hbm4b:s2+s10], $0x1, v0, vm0, $0x4038;
	[tilespmem:$0x2800] =	vst v63  }
0x16: {  	_ =	swait.ge [sflag:s5], $0xA00  }
0x17: {  	s30 =	sshrl.u32 s13, $0x3;
	[sflag:s5] =	ssyncset.done $0x0  }
0x18: {  	s31 =	sand.u32 $0x7, s13;
	s15 =	sadd.s32 s8, s30;
	[sflag:s5] =	ssyncadd.s32 $0xFFFFF600  }
0x19: {  	[hbm4b:s15+s31] =	stream.linear.scatter [tilespmem:s14], [sflag:$0x3], $0xA00, $0x38;
	[tilespmem:$0x2800] =	vst v63  }
.LBB2_5:
0x1a: {  	s15 =	sadd.s32 $0x14000, s11  }
0x1b: {  	p1 =	sgt.s32 s15, $0x18FFF  }
0x1c: {  	s15 =	smov.u32 @p1 s4;
	p1 =	sne.s32 s12, s9  }
.Ltmp1:
0x1d: {  	p0 =	slt.u32 s12, $0x2;
	(pc) =	sbr.rel @!p1 .LBB2_6-.Ltmp1, $4  }
0x1e: {  	s14 =	simm.s32 @!p0 $0x3  }
0x1f: {  	_ =	swait.ge @!p0 [sflag:s14], $0xA00  }
0x20: {  	s16 =	sadd.s32 $0x1, s12;
	s13 =	smov.u32 s11;
	[sflag:s14] =	ssyncset.done @!p0 $0x0  }
0x21: {  	s12 =	smov.u32 s16;
	s11 =	smov.u32 s15;
	[sflag:s14] =	ssyncadd.s32 @!p0 $0xFFFFF600  }
.LBB2_1:
0x22: {  	p0 =	sge.u32 s12, s7  }
0x23: {  	s14 =	sxor.u32 @!p0 $0x1, s12  }
0x24: {  	s14 =	smul.u32 @!p0 $0x2800, s14  }
0x25: {  	s31 =	sadd.s32 $0xFFFFFFFF, s12;
	s15 =	sshrl.u32 @!p0 s11, $0x3  }
0x26: {  	s16 =	sand.u32 @!p0 $0x7, s11;
	s15 =	sadd.s32 @!p0 s3, s15;
	s14 =	sshra.s32 @!p0 s14, $0x2  }
0x27: {  	[tilespmem:s14], [sflag:$0x2] =	stream.linear.gather @!p0 [hbm4b:s15+s16], $0xA00, $0x38;
	[tilespmem:$0x2800] =	vst v63  }
0x28: {  	p0 =	sge.u32 s31, s7  }
.Ltmp2:
0x29: {  	_ = 	snop;
	(pc) =	sbr.rel @p0 .LBB2_5-.Ltmp2, $1  }
0x2a: {  	_ =	sdelay $0x3  }
0x2b: {  	s14 =	sand.u32 $0x1, s12  }
0x2c: {  	_ =	swait.ge [sflag:s6], $0xA00;
	p0 =	seq.s32 s14, $0x1;
	s14 =	simm.s32 $0xA00  }
0x2d: {  	[sflag:s6] =	ssyncset.done $0x0;
	s14 =	simm.s32 @!p0 $0x0  }
0x2e: {  	[sflag:s6] =	ssyncadd.s32 $0xFFFFF600;
	(ifvalue) =	ssetifvalue $0x7FFFFFFF;
	v0 =	vld.msk [tilespmem:s14+$0x0 ss:$0x1], $0xffff;
	_ =	sdelay $0x4  }
0x2f: {  	s15 =	sadd.s32 $0x10, s14;
	vm1 =	vgt.s32 v0, $0x0  }
0x30: {  	v2 =	vld.msk [tilespmem:s15+$0x0 ss:$0x1], $0xffff;
	v1 =	vnsel vm1, $0x0, v0  }
0x31: {  	v1 =	vmin.u32 v1, $0x18FFF;
	_ =	sdelay $0x2  }
0x32: {  	s17 =	simm.s32 $0x20;
	s14 =	sor.u32 $0x1400, s14;
	s16 =	sadd.s32 $0x10, s15  }
0x33: {  	s15 =	sadd.s32 $0x10, s14;
	s18 =	smov.u32 s14;
	v0 =	vld.msk [tilespmem:s16+$0x0 ss:$0x1], $0xffff;
	vm1 =	vgt.s32 v2, $0x0;
	(ifvalue) =	ssetifvalue $0x7FFFFFFF  }
.LBB2_3:
0x34: {  	[tilespmem:s18], [sflag:$0x1] =	stream.indirect_vreg.gather [hbm4b:s2+s10], $0x1, v1, vm0, $0x4038;
	[tilespmem:$0x2800] =	vst v63  }
0x35: {  	s17 =	sadd.s32 $0x10, s17  }
0x36: {  	v2 =	vnsel vm1, $0x0, v2;
	p0 =	slt.u32 s17, $0x9F0  }
.Ltmp3:
0x37: {  	s18 =	smov.u32 s15;
	v1 =	vmin.u32 v2, $0x18FFF;
	(pc) =	sbr.rel @p0 .LBB2_3-.Ltmp3, $3  }
0x38: {  	_ =	sdelay $0x1  }
0x39: {  	s16 =	sadd.s32 $0x10, s16  }
0x3a: {  	vm1 =	vgt.s32 v0, $0x0;
	s15 =	sadd.s32 $0x10, s15;
	v2 =	vmov v0;
	(ifvalue) =	ssetifvalue $0x7FFFFFFF;
	v0 =	vld.msk [tilespmem:s16+$0x0 ss:$0x1], $0xffff  }
.Ltmp4:
0x3b: {  	_ = 	snop;
	(pc) =	sbr.rel .LBB2_4-.Ltmp4, $1  }
0x3c: {  	_ =	sdelay $0x3  }
.LBB2_6:
0x3d: {  	_ =	sfence.sel $0x180000  }
0x3e: {  	s2 =	simm.s32 $0x2;
	[bflag:$0x0] =	sbarrier.arrive $0xFFFF  }
0x3f: {  	s30 =	simm.s32 $0x3;
	[sflag:s2] =	ssyncpa.u1 $0x1  }
0x40: {  	s31 =	simm.s32 $0x1;
	[sflag:s30] =	ssyncpa.u1 $0x1  }
0x41: {  	[sflag:s31] =	ssyncpa.u1 $0x1  }
0x42: {  	p0 =	sne.s32 s1, $0x0;
	_ =	strace $0x90000047  }
0x43: {  	s0 =	sadd.s32 @!p0 $0x100000, s0;
	[bflag:$0x2] =	sbarrier.arrive $0xFFFF  }
0x44: {  	[sflag:s0] =	ssyncadd.tile.s32 @!p0 $0x1;
	_ =	shalt  }
.Lfunc_end2:
_tile_overlayer_lowered:
.L_overlay_start_2:
0x45: {  	(tag) =	ssettag $0x2  }
0x46: {  	s0 =	rddreg [dreg:$0x0];
	s2 =	stileid.u32  }
0x47: {  	s1 =	rddreg [dreg:$0x1];
	p0 =	sne.s32 s2, $0x0  }
0x48: {  	s3 =	rddreg [dreg:$0x2];
	[bflag:$0x3] =	sbarrier.arrive $0xFFFF;
	s2 =	simm.s32 @!p0 $0x1C01  }
0x49: {  	[timem:s3], [sflag:s2] =	dma.local @!p0 [hbm:s0], s1  }
0x4a: {  	s0 =	simm.s32 @!p0 $0x1  }
0x4b: {  	_ =	swait.ge @!p0 [sflag:s0], s1  }
0x4c: {  	s1 =	ssub.s32 @!p0 $0x0, s1;
	[sflag:s0] =	ssyncset.done @!p0 $0x0  }
0x4d: {  	[sflag:s0] =	ssyncadd.s32 @!p0 s1  }
0x4e: {  	[bflag:$0x3] =	sbarrier.arrive $0xFFFF  }
0x4f: {  	_ =	shalt  }

// kernel: kernel.6.cloned.1.call-start
scs
__scs_entry_jumppad:
0x0: {  	(pc) =	sbr.rel $0x88, $3  }
0x1: {  	(tag) =	ssettag $0x0;
	lr =	simm.s32 $0x1  }
0x2: {  	[smem:$0x3F94] =	sst lr;
	_ =	strace $0xD0000000  }
0x3: {  	_ = 	snop  }
0x4: {  	_ = 	snop  }
0x5: {  	_ = 	snop  }
0x6: {  	_ = 	snop  }
0x7: {  	_ = 	snop  }
__scs_overlays_trampoline_lowered:
0x8: {  	[smem:$0x3FA3] =	sst s0  }
0x9: {  	[smem:$0x3FA4] =	sst s1  }
0xa: {  	[smem:$0x3FA5] =	sst s2  }
0xb: {  	[smem:$0x3FA6] =	sst s3  }
0xc: {  	[smem:$0x3FA7] =	sst s4  }
0xd: {  	[smem:$0x3FA8] =	sst s5  }
0xe: {  	[smem:$0x3FA9] =	sst s6  }
0xf: {  	[smem:$0x3FAA] =	sst s7  }
0x10: {  	[smem:$0x3FAB] =	sst s8  }
0x11: {  	[smem:$0x3FAC] =	sst s9;
	s0 =	simm.s32 @!p0 $0x0  }
0x12: {  	s1 =	sld [smem:$0x3F92];
	s0 =	simm.s32 @p0 $0x1  }
0x13: {  	[smem:$0x3FAD] =	sst s0;
	s0 =	simm.s32 @!p1 $0x0  }
0x14: {  	s2 =	sld [smem:$0x3F91];
	s0 =	simm.s32 @p1 $0x1  }
0x15: {  	[smem:$0x3FAE] =	sst s0;
	s0 =	simm.s32 @!p2 $0x0  }
0x16: {  	s3 =	sld [smem:$0x3FDB];
	s0 =	simm.s32 @p2 $0x1  }
0x17: {  	s4 =	simm.s32 $0x1BF5;
	[smem:$0x3FB0] =	sst s0  }
0x18: {  	s0 =	sld [smem:$0x3F93];
	_ =	swait.ge [sflag:s4], $0x0  }
0x19: {  	s7 =	sld [smem:$0x3F94]  }
0x1a: {  	s8 =	sadd.s32 $0xFFFFE003, lr  }
0x1b: {  	s9 =	sadd.s32 $0xFFFFFEF7, lr;
	s5 =	simm.s32 $0xFFFFFFFF;
	p2 =	slt.u32 s8, $0xFFFFF086  }
0x1c: {  	p1 =	slt.u32 s9, $0xF7A;
	s5 =	simm.s32 @!p2 $0x0  }
0x1d: {  	s5 =	simm.s32 @p1 $0x1;
	p0 =	seq.s32 s7, s2  }
0x1e: {  	s7 =	smul.u32 @!p0 $0xF7A, s2;
	p2 =	seq.s32 @!p0 s5, $0x0  }
0x1f: {  	s9 =	smul.u32 $0xF7A, s1;
	s8 =	simm.s32 @!p0 $0x1BF5;
	p2 =	por !p2, p0  }
0x20: {  	[sflag:s8] =	ssyncset.s32 @!p0 $0xFFFFF086;
	s6 =	sadd.s32 @!p0 s3, s7;
	s7 =	simm.s32 @!p0 $0x108  }
0x21: {  	s3 =	sadd.s32 s3, s9;
	s6 =	sadd.s32 @!p0 $0x88, s6;
	s7 =	simm.s32 @p2 $0x1082  }
0x22: {  	[simem:s7], [sflag:s8] =	dma.local @!p0 [hbm:s6], $0xF7A  }
0x23: {  	s9 =	sor.u32 $0xD0000000, s2;
	s6 =	simm.s32 $0x108;
	_ =	swait.ge @!p0 [sflag:s8], $0x0  }
0x24: {  	s3 =	sadd.s32 $0x88, s3;
	s6 =	simm.s32 @!p1 $0x1082;
	[sflag:s4] =	ssyncset.s32 $0xFFFFF086  }
0x25: {  	[simem:s6], [sflag:s4] =	dma.local [hbm:s3], $0xF7A  }
0x26: {  	[smem:$0x3F94] =	sst s1;
	(tag) =	ssettag s2;
	_ =	strace s9  }
0x27: {  	s1 =	sld [smem:$0x3FA4]  }
0x28: {  	s2 =	sld [smem:$0x3FA5]  }
0x29: {  	s4 =	sld [smem:$0x3FA7]  }
0x2a: {  	p0 =	seq.s32 s5, $0x0;
	s5 =	sld [smem:$0x3FA8]  }
0x2b: {  	s6 =	sld [smem:$0x3FA9]  }
0x2c: {  	s7 =	sld [smem:$0x3FAA]  }
0x2d: {  	s3 =	simm.s32 $0x108;
	s8 =	sld [smem:$0x3FAB]  }
0x2e: {  	s3 =	simm.s32 @!p0 $0x1082;
	s9 =	sld [smem:$0x3FAC]  }
0x2f: {  	lr =	sadd.s32 s0, s3;
	s0 =	sld [smem:$0x3FA3]  }
0x30: {  	s3 =	sld [smem:$0x3FA6]  }
0x31: {  	[smem:$0x3FAF] =	sst s10  }
0x32: {  	s10 =	sld [smem:$0x3FAD];
	_ =	sdelay $0x3  }
0x33: {  	p0 =	seq.s32 s10, $0x1;
	s10 =	sld [smem:$0x3FAF];
	_ =	sdelay $0x3  }
0x34: {  	[smem:$0x3FAF] =	sst s10  }
0x35: {  	s10 =	sld [smem:$0x3FAE];
	_ =	sdelay $0x3  }
0x36: {  	p1 =	seq.s32 s10, $0x1;
	s10 =	sld [smem:$0x3FAF];
	_ =	sdelay $0x3  }
0x37: {  	[smem:$0x3FAF] =	sst s10  }
0x38: {  	s10 =	sld [smem:$0x3FB0]  }
0x39: {  	_ = 	snop;
	(pc) =	sbr.ind lr, $3  }
0x3a: {  	_ = 	snop  }
0x3b: {  	_ = 	snop  }
0x3c: {  	p2 =	seq.s32 s10, $0x1;
	s10 =	sld [smem:$0x3FAF]  }
0x3d: {  	_ =	shalt  }
0x3e: {  	_ =	shalt  }
0x3f: {  	_ =	shalt  }
0x40: {  	_ =	shalt  }
0x41: {  	_ =	shalt  }
0x42: {  	_ =	shalt  }
0x43: {  	_ =	shalt  }
0x44: {  	_ =	shalt  }
0x45: {  	_ =	shalt  }
0x46: {  	_ =	shalt  }
0x47: {  	_ =	shalt  }
0x48: {  	_ =	shalt  }
0x49: {  	_ =	shalt  }
0x4a: {  	_ =	shalt  }
0x4b: {  	_ =	shalt  }
0x4c: {  	_ =	shalt  }
0x4d: {  	_ =	shalt  }
0x4e: {  	_ =	shalt  }
0x4f: {  	_ =	shalt  }
0x50: {  	_ =	shalt  }
0x51: {  	_ =	shalt  }
0x52: {  	_ =	shalt  }
0x53: {  	_ =	shalt  }
0x54: {  	_ =	shalt  }
0x55: {  	_ =	shalt  }
0x56: {  	_ =	shalt  }
0x57: {  	_ =	shalt  }
0x58: {  	_ =	shalt  }
0x59: {  	_ =	shalt  }
0x5a: {  	_ =	shalt  }
0x5b: {  	_ =	shalt  }
0x5c: {  	_ =	shalt  }
0x5d: {  	_ =	shalt  }
0x5e: {  	_ =	shalt  }
0x5f: {  	_ =	shalt  }
0x60: {  	_ =	shalt  }
0x61: {  	_ =	shalt  }
0x62: {  	_ =	shalt  }
0x63: {  	_ =	shalt  }
0x64: {  	_ =	shalt  }
0x65: {  	_ =	shalt  }
0x66: {  	_ =	shalt  }
0x67: {  	_ =	shalt  }
0x68: {  	_ =	shalt  }
0x69: {  	_ =	shalt  }
0x6a: {  	_ =	shalt  }
0x6b: {  	_ =	shalt  }
0x6c: {  	_ =	shalt  }
0x6d: {  	_ =	shalt  }
0x6e: {  	_ =	shalt  }
0x6f: {  	_ =	shalt  }
0x70: {  	_ =	shalt  }
0x71: {  	_ =	shalt  }
0x72: {  	_ =	shalt  }
0x73: {  	_ =	shalt  }
0x74: {  	_ =	shalt  }
0x75: {  	_ =	shalt  }
0x76: {  	_ =	shalt  }
0x77: {  	_ =	shalt  }
0x78: {  	_ =	shalt  }
0x79: {  	_ =	shalt  }
0x7a: {  	_ =	shalt  }
0x7b: {  	_ =	shalt  }
0x7c: {  	_ =	shalt  }
0x7d: {  	_ =	shalt  }
0x7e: {  	_ =	shalt  }
0x7f: {  	_ =	shalt  }
0x80: {  	_ =	shalt  }
0x81: {  	_ =	shalt  }
0x82: {  	_ =	shalt  }
0x83: {  	_ =	shalt  }
0x84: {  	_ =	shalt  }
0x85: {  	_ =	shalt  }
0x86: {  	_ =	shalt  }
0x87: {  	_ =	shalt  }
.Lfunc_end0:
.L_simem_size_0:
called_computation.3_lowered:
.L_overlay_start_0:
0x88: {  	s2 =	sld [smem:$0x3FD9]  }
0x89: {  	s3 =	sld [smem:$0x3FFE];
	_ =	sdelay $0x1  }
0x8a: {  	s1 =	srdreg.scid  }
0x8b: {  	s0 =	sand.u32 $0x1, s1  }
0x8c: {  	s17 =	sshll.u32 s0, $0xA;
	s2 =	sadd.s32 s3, s2  }
0x8d: {  	s2 =	sadd.s32 s2, s17  }
0x8e: {  	[smem:$0x3FBB] =	sst s2  }
0x8f: {  	_ = 	snop  }
0x90: {  	(tm) =	ssettm $0x1  }
0x91: {  	s18 =	sld [smem:$0x3FFB];
	_ =	sdelay $0x3  }
0x92: {  	_ =	strace s18  }
0x93: {  	s2 =	sld [smem:$0x3FFC];
	_ =	sdelay $0x3  }
0x94: {  	_ =	strace s2  }
0x95: {  	s2 =	sld [smem:$0x3FFD];
	_ =	sdelay $0x3  }
0x96: {  	_ =	strace s2  }
0x97: {  	_ =	strace $0x8FFFFFFF  }
0x98: {  	s19 =	sld [smem:$0x3FDB];
	_ =	sdelay $0x1  }
0x99: {  	s20 =	simm.s32 $_scs_section_size  }
0x9a: {  	s4 =	simm.s32 $_size__tile_overlayer_lowered;
	s5 =	simm.s32 $_tile_overlayer_lowered  }
0x9b: {  	s6 =	simm.s32 $0x1BFF;
	s21 =	sshll.u32 s5, $0x1;
	s3 =	sadd.s32 s20, s19  }
0x9c: {  	s22 =	simm.s32 $0x0;
	s4 =	sshll.u32 s4, $0x1;
	s5 =	sadd.s32 s21, s3  }
0x9d: {  	[timem:s22], [sflag:s6] =	dma.local [hbm:s5], s4  }
0x9e: {  	_ =	swait.ge [sflag:s6], s4  }
0x9f: {  	s4 =	ssub.s32 $0x0, s4;
	[sflag:s6] =	ssyncset.done $0x0  }
0xa0: {  	[sflag:s6] =	ssyncadd.s32 s4;
	_ =	sdelay $0x1  }
0xa1: {  	s23 =	simm.s32 $0x1B8B  }
0xa2: {  	_ =	swait.ge [sflag:s23], $0x1  }
0xa3: {  	[sflag:s23] =	ssyncset.done $0x0  }
0xa4: {  	[sflag:s23] =	ssyncadd.s32 $0xFFFFFFFF  }
0xa5: {  	s4 =	sld [smem:$0x0]  }
0xa6: {  	s5 =	sand.u32 $0xFFFFFFFE, s1  }
0xa7: {  	p0 =	sne.s32 s1, s5  }
0xa8: {  	s5 =	sshll.u32 @p0 s5, $0xE  }
0xa9: {  	s5 =	sadd.s32 @p0 $0x11B8D, s5;
	s6 =	sshll.u32 @p0 s4, $0x11  }
0xaa: {  	s5 =	sor.u32 @p0 s6, s5  }
0xab: {  	[sflag:s5] =	ssyncadd.remote.s32 @p0 $0x1;
	_ =	sdelay $0x1  }
0xac: {  	s5 =	simm.s32 @p0 $0x1B8D  }
0xad: {  	_ =	swait.eq @p0 [sflag:s5], $0x1  }
0xae: {  	[sflag:s5] =	ssyncadd.s32 @p0 $0xFFFFFFFF  }
0xaf: {  	s6 =	sshll.u32 @!p0 s1, $0xE  }
0xb0: {  	s6 =	sor.u32 @!p0 $0x4000, s6;
	s5 =	simm.s32 @!p0 $0x1B8D  }
0xb1: {  	s4 =	sshll.u32 @!p0 s4, $0x11;
	s6 =	sadd.s32 @!p0 $0x11B8D, s6;
	_ =	swait.eq @!p0 [sflag:s5], $0x1  }
0xb2: {  	s4 =	sor.u32 @!p0 s4, s6;
	[sflag:s5] =	ssyncadd.s32 @!p0 $0xFFFFFFFF  }
0xb3: {  	s25 =	simm.s32 $0x1B8E;
	s24 =	sld [smem:$0x3FFE];
	[sflag:s4] =	ssyncadd.remote.s32 @!p0 $0x1  }
0xb4: {  	s26 =	simm.s32 $execute0_lowered;
	[smem:$0x3FD2] =	sst s25  }
0xb5: {  	s5 =	sshll.u32 s26, $0x1;
	_ =	strace $0x8000004F;
	[dreg:$0x1] =	wrdreg $0xFFFFFFFF  }
0xb6: {  	s28 =	simm.s32 $_size_execute0_lowered;
	s3 =	sadd.s32 s3, s5;
	[dreg:$0x0] =	wrdreg $0x0  }
0xb7: {  	s5 =	sshll.u32 s28, $0x1;
	[dreg:$0x2] =	wrdreg s3  }
0xb8: {  	[dreg:$0x3] =	wrdreg s5  }
0xb9: {  	[dreg:$0x4] =	wrdreg $0xC0  }
0xba: {  	_ =	task [dreg:s22], $0x5FFFF  }
0xbb: {  	[dreg:$0x1] =	wrdreg $0xFFFFFFFF  }
0xbc: {  	[dreg:$0x0] =	wrdreg $0x60  }
0xbd: {  	[dreg:$0x2] =	wrdreg s24  }
0xbe: {  	[dreg:$0x3] =	wrdreg $0xB  }
0xbf: {  	_ =	task.clear_ibuf [dreg:s22], $0x4FFFF;
	_ =	strace $0x9000004F  }
0xc0: {  	s29 =	simm.s32 $0xB;
	_ =	strace $0x80000051  }
0xc1: {  	_ =	swait.ge [sflag:s29], $0x1  }
0xc2: {  	[sflag:s29] =	ssyncadd.s32 $0xFFFFFFFF  }
0xc3: {  	_ =	strace $0x90000051  }
0xc4: {  	_ =	sfence  }
0xc5: {  	s30 =	sld [smem:$0x0];
	_ =	sdelay $0x2  }
0xc6: {  	s31 =	sshll.u32 s1, $0xD;
	s1 =	sshrl.u32 s1, $0x2  }
0xc7: {  	s4 =	sand.u32 $0x4000, s31;
	s1 =	sadd.s32 s1, s30  }
0xc8: {  	s0 =	sor.u32 s4, s0;
	s1 =	sshll.u32 s1, $0x11  }
0xc9: {  	s0 =	sor.u32 s1, s0  }
0xca: {  	s0 =	sadd.s32 $0x8F2B, s0  }
0xcb: {  	[sflag:s0] =	ssyncadd.remote.s32 $0x1  }
0xcc: {  	_ =	sfence.sel $0xFFFF  }
0xcd: {  	[dreg:$0x0] =	wrdreg $0xFFFFFFFF;
	(pc) =	sbr.abs _section_cstart, $3  }
0xce: {  	[dreg:$0x1] =	wrdreg $0xFFFFFFFF  }
0xcf: {  	_ =	task.clear_ibuf [dreg:s22], $0x2FFFF;
	_ =	strace $0x9FFFFFFF  }
0xd0: {  	(tm) =	ssettm $0x7FFFFFFF  }
0xd1: {  	_ =	shalt  }
tec
execute0_lowered:
.L_overlay_start_1:
0x0: {  	(tag) =	ssettag $0x1  }
0x1: {  	s0 =	srdreg.scid  }
0x2: {  	s4 =	stileid.u32;
	s5 =	rddreg [dreg:$0x0];
	s15 =	simm.s32 $0x1480  }
0x3: {  	s16 =	simm.s32 $0x1880;
	s17 =	simm.s32 $0x2080;
	s19 =	simm.s32 $0x2480  }
0x4: {  	s20 =	simm.s32 $0x2C80;
	s21 =	simm.s32 $0x3080;
	s22 =	simm.s32 $0x3880  }
0x5: {  	s23 =	simm.s32 $0x3C80;
	s0 =	sand.u32 $0x1, s0;
	s1 =	smul.u32 $0x1900, s4  }
0x6: {  	s24 =	simm.s32 $0x4480;
	s25 =	simm.s32 $0x4880;
	s2 =	smul.u32 $0xC80, s0  }
0x7: {  	s9 =	simm.s32 $0x2;
	s26 =	simm.s32 $0x5080;
	s10 =	simm.s32 $0xC80  }
0x8: {  	s11 =	simm.s32 $0x5480;
	s1 =	sadd.s32 s2, s1;
	s2 =	simm.s32 $0x0  }
0x9: {  	s12 =	simm.s32 $0x5C80;
	s13 =	simm.s32 $0x6080;
	[smem:$0x7FF] =	sst s2  }
0xa: {  	s28 =	simm.s32 $0xB480;
	_ =	strace $0x80000050;
	[dreg:$0x3] =	wrdreg s15  }
0xb: {  	s29 =	simm.s32 $0xBC80;
	s30 =	simm.s32 $0xC080;
	[dreg:$0x4] =	wrdreg s16  }
0xc: {  	s6 =	sshll.u32 s0, $0x7;
	s0 =	ssub.s32 $0x2, s0;
	[dreg:$0x5] =	wrdreg s17  }
0xd: {  	s31 =	simm.s32 $0xC880;
	s18 =	sshrl.u32 s0, $0x1;
	[dreg:$0x6] =	wrdreg s19  }
0xe: {  	s3 =	sshrl.u32 s4, $0x2;
	s0 =	ssub.s32 s0, s18;
	[dreg:$0x7] =	wrdreg s20  }
0xf: {  	s4 =	sshll.u32 s4, $0x8;
	s0 =	smax.u32 s0, $0x1;
	[dreg:$0x8] =	wrdreg s21  }
0x10: {  	s7 =	smul.u32 $0x6400, s3;
	s14 =	sor.u32 s6, s4;
	[dreg:$0xf] =	wrdreg s0  }
0x11: {  	s3 =	sadd.s32 $0x332200, s5;
	s4 =	sand.u32 $0x380, s14;
	[dreg:$0x9] =	wrdreg s22  }
0x12: {  	s14 =	simm.s32 $0x6880;
	s18 =	simm.s32 $0x8080;
	[dreg:$0xa] =	wrdreg s23  }
0x13: {  	s1 =	sshrl.u32 s1, $0x3;
	s4 =	sor.u32 s7, s4;
	[dreg:$0xb] =	wrdreg s24  }
0x14: {  	s1 =	smul.u32 $0x180, s1;
	s4 =	sshrl.u32 s4, $0x3;
	[dreg:$0xc] =	wrdreg s25  }
0x15: {  	[dreg:$0xd] =	wrdreg s26;
	s15 =	simm.s32 $0x6C80;
	s16 =	simm.s32 $0x7480  }
0x16: {  	s17 =	simm.s32 $0x7880;
	s19 =	simm.s32 $0x8480;
	s20 =	simm.s32 $0x8C80  }
0x17: {  	s21 =	simm.s32 $0x9080;
	s22 =	simm.s32 $0x9880;
	s23 =	simm.s32 $0x9C80  }
0x18: {  	s24 =	simm.s32 $0xA480;
	s25 =	simm.s32 $0xA880;
	s4 =	sadd.s32 s4, s5  }
0x19: {  	v2 =	vlaneseq.u32;
	s26 =	simm.s32 $0xB080;
	s1 =	sadd.s32 s1, s5;
	s4 =	sadd.s32 $0x8C00, s4  }
0x1a: {  	vm0 =	vmmov $0xffff;
	vm1 =	vmmov $0xff;
	v1 =	vshrl.u32 v2, $0x3;
	s0 =	simm.s32 $0x0;
	s1 =	sadd.s32 $0x3A7600, s1;
	[dreg:$0xe] =	wrdreg s4  }
0x1b: {  	v0 =	vand.u32 $0x7, v2;
	v2 =	vor.u32 $0x8, v2;
	v1 =	vmul.u32 $0x8, v1;
	s5 =	sadd.s32 $0x332300, s5;
	[dreg:$0x2] =	wrdreg s1;
	s1 =	simm.s32 $0x1  }
.LBB2_1:
0x1c: {  	s4 =	rddreg [dreg:$0xe];
	s6 =	simm.s32 $0x80;
	s7 =	simm.s32 $0x400  }
0x1d: {  	[tilespmem:s2], [sflag:$0x2] =	stream.strided.gather [hbm4b:s4+s6], $0xC80, s7, s6, $0x38;
	[tilespmem:$0xCC80] =	vst v63  }
0x1e: {  	_ =	swait.ge [sflag:s9], $0xC80  }
0x1f: {  	[sflag:s9] =	ssyncset.done $0x0  }
0x20: {  	s8 =	simm.s32 $0x0;
	s7 =	simm.s32 $0x40;
	[sflag:s9] =	ssyncadd.s32 $0xFFFFF380  }
.LBB2_2:
0x21: {  	v3 =	vld [tilespmem:s7+$0xFFFFFFC0];
	_ =	sdelay $0x4  }
0x22: {  	v4 =	vshrl.u32 v3, $0x3  }
0x23: {  	v4 =	vmul.u32 $0x18, v4  }
0x24: {  	v3 =	vand.u32 $0x7, v3  }
0x25: {  	v3 =	vor.u32 v3, v4  }
0x26: {  	v4 =	vperm.xlane v3, v0;
	_ =	sdelay $0x1  }
0x27: {  	v4 =	vadd.s32 v1, v4;
	_ =	sdelay $0x1  }
0x28: {  	v3 =	vperm.xlane v3, v2;
	_ =	sdelay $0x1  }
0x29: {  	v3 =	vadd.s32 v1, v3  }
0x2a: {  	[tilespmem:s10], [sflag:$0x1] =	stream.indirect_vreg.gather [hbm4b:s3+s2], $0x80, v4, vm0, $0xb8;
	[tilespmem:$0xCC80] =	vst v63  }
0x2b: {  	s4 =	rddreg [dreg:$0x3]  }
0x2c: {  	[tilespmem:s4], [sflag:$0x1] =	stream.indirect_vreg.gather [hbm4b:s5+s2], $0x80, v4, vm1, $0xb8;
	[tilespmem:$0xCC80] =	vst v63  }
0x2d: {  	s6 =	rddreg [dreg:$0x4]  }
0x2e: {  	[tilespmem:s6], [sflag:$0x1] =	stream.indirect_vreg.gather [hbm4b:s3+s2], $0x80, v3, vm0, $0xb8;
	[tilespmem:$0xCC80] =	vst v63  }
0x2f: {  	s4 =	rddreg [dreg:$0x5]  }
0x30: {  	[tilespmem:s4], [sflag:$0x1] =	stream.indirect_vreg.gather [hbm4b:s5+s2], $0x80, v3, vm1, $0xb8;
	[tilespmem:$0xCC80] =	vst v63  }
0x31: {  	v3 =	vld [tilespmem:s7+$0xFFFFFFD0];
	_ =	sdelay $0x4  }
0x32: {  	v57 =	vshrl.u32 v3, $0x3  }
0x33: {  	v4 =	vmul.u32 $0x18, v57  }
0x34: {  	v3 =	vand.u32 $0x7, v3  }
0x35: {  	v3 =	vor.u32 v3, v4  }
0x36: {  	v4 =	vperm.xlane v3, v0;
	_ =	sdelay $0x1  }
0x37: {  	v4 =	vadd.s32 v1, v4;
	_ =	sdelay $0x1  }
0x38: {  	v3 =	vperm.xlane v3, v2;
	_ =	sdelay $0x1  }
0x39: {  	s4 =	rddreg [dreg:$0x6];
	v3 =	vadd.s32 v1, v3  }
0x3a: {  	[tilespmem:s4], [sflag:$0x1] =	stream.indirect_vreg.gather [hbm4b:s3+s2], $0x80, v4, vm0, $0xb8;
	[tilespmem:$0xCC80] =	vst v63  }
0x3b: {  	s6 =	rddreg [dreg:$0x7]  }
0x3c: {  	[tilespmem:s6], [sflag:$0x1] =	stream.indirect_vreg.gather [hbm4b:s5+s2], $0x80, v4, vm1, $0xb8;
	[tilespmem:$0xCC80] =	vst v63  }
0x3d: {  	s4 =	rddreg [dreg:$0x8]  }
0x3e: {  	[tilespmem:s4], [sflag:$0x1] =	stream.indirect_vreg.gather [hbm4b:s3+s2], $0x80, v3, vm0, $0xb8;
	[tilespmem:$0xCC80] =	vst v63  }
0x3f: {  	s6 =	rddreg [dreg:$0x9]  }
0x40: {  	[tilespmem:s6], [sflag:$0x1] =	stream.indirect_vreg.gather [hbm4b:s5+s2], $0x80, v3, vm1, $0xb8;
	[tilespmem:$0xCC80] =	vst v63  }
0x41: {  	v3 =	vld [tilespmem:s7+$0xFFFFFFE0];
	_ =	sdelay $0x4  }
0x42: {  	v58 =	vshrl.u32 v3, $0x3  }
0x43: {  	v4 =	vmul.u32 $0x18, v58  }
0x44: {  	v3 =	vand.u32 $0x7, v3  }
0x45: {  	v3 =	vor.u32 v3, v4  }
0x46: {  	v4 =	vperm.xlane v3, v0;
	_ =	sdelay $0x1  }
0x47: {  	v4 =	vadd.s32 v1, v4;
	_ =	sdelay $0x1  }
0x48: {  	v3 =	vperm.xlane v3, v2;
	_ =	sdelay $0x1  }
0x49: {  	s4 =	rddreg [dreg:$0xa];
	v3 =	vadd.s32 v1, v3  }
0x4a: {  	[tilespmem:s4], [sflag:$0x1] =	stream.indirect_vreg.gather [hbm4b:s3+s2], $0x80, v4, vm0, $0xb8;
	[tilespmem:$0xCC80] =	vst v63  }
0x4b: {  	s6 =	rddreg [dreg:$0xb]  }
0x4c: {  	[tilespmem:s6], [sflag:$0x1] =	stream.indirect_vreg.gather [hbm4b:s5+s2], $0x80, v4, vm1, $0xb8;
	[tilespmem:$0xCC80] =	vst v63  }
0x4d: {  	s4 =	rddreg [dreg:$0xc]  }
0x4e: {  	[tilespmem:s4], [sflag:$0x1] =	stream.indirect_vreg.gather [hbm4b:s3+s2], $0x80, v3, vm0, $0xb8;
	[tilespmem:$0xCC80] =	vst v63  }
0x4f: {  	s6 =	rddreg [dreg:$0xd]  }
0x50: {  	[tilespmem:s6], [sflag:$0x1] =	stream.indirect_vreg.gather [hbm4b:s5+s2], $0x80, v3, vm1, $0xb8;
	[tilespmem:$0xCC80] =	vst v63  }
0x51: {  	v3 =	vld [tilespmem:s7+$0xFFFFFFF0];
	_ =	sdelay $0x4  }
0x52: {  	v59 =	vshrl.u32 v3, $0x3  }
0x53: {  	v4 =	vmul.u32 $0x18, v59  }
0x54: {  	v3 =	vand.u32 $0x7, v3  }
0x55: {  	v3 =	vor.u32 v3, v4  }
0x56: {  	v4 =	vperm.xlane v3, v0;
	_ =	sdelay $0x1  }
0x57: {  	v4 =	vadd.s32 v1, v4;
	_ =	sdelay $0x1  }
0x58: {  	v3 =	vperm.xlane v3, v2;
	_ =	sdelay $0x1  }
0x59: {  	v3 =	vadd.s32 v1, v3  }
0x5a: {  	[tilespmem:s11], [sflag:$0x1] =	stream.indirect_vreg.gather [hbm4b:s3+s2], $0x80, v4, vm0, $0xb8;
	[tilespmem:$0xCC80] =	vst v63  }
0x5b: {  	_ = 	snop  }
0x5c: {  	[tilespmem:s12], [sflag:$0x1] =	stream.indirect_vreg.gather [hbm4b:s5+s2], $0x80, v4, vm1, $0xb8;
	[tilespmem:$0xCC80] =	vst v63  }
0x5d: {  	_ = 	snop  }
0x5e: {  	[tilespmem:s13], [sflag:$0x1] =	stream.indirect_vreg.gather [hbm4b:s3+s2], $0x80, v3, vm0, $0xb8;
	[tilespmem:$0xCC80] =	vst v63  }
0x5f: {  	_ = 	snop  }
0x60: {  	[tilespmem:s14], [sflag:$0x1] =	stream.indirect_vreg.gather [hbm4b:s5+s2], $0x80, v3, vm1, $0xb8;
	[tilespmem:$0xCC80] =	vst v63  }
0x61: {  	v3 =	vld [tilespmem:s7+$0x0];
	_ =	sdelay $0x4  }
0x62: {  	v60 =	vshrl.u32 v3, $0x3  }
0x63: {  	v4 =	vmul.u32 $0x18, v60  }
0x64: {  	v3 =	vand.u32 $0x7, v3  }
0x65: {  	v3 =	vor.u32 v3, v4  }
0x66: {  	v4 =	vperm.xlane v3, v0;
	_ =	sdelay $0x1  }
0x67: {  	v4 =	vadd.s32 v1, v4;
	_ =	sdelay $0x1  }
0x68: {  	v3 =	vperm.xlane v3, v2;
	_ =	sdelay $0x1  }
0x69: {  	v3 =	vadd.s32 v1, v3  }
0x6a: {  	[tilespmem:s15], [sflag:$0x1] =	stream.indirect_vreg.gather [hbm4b:s3+s2], $0x80, v4, vm0, $0xb8;
	[tilespmem:$0xCC80] =	vst v63  }
0x6b: {  	_ = 	snop  }
0x6c: {  	[tilespmem:s16], [sflag:$0x1] =	stream.indirect_vreg.gather [hbm4b:s5+s2], $0x80, v4, vm1, $0xb8;
	[tilespmem:$0xCC80] =	vst v63  }
0x6d: {  	_ = 	snop  }
0x6e: {  	[tilespmem:s17], [sflag:$0x1] =	stream.indirect_vreg.gather [hbm4b:s3+s2], $0x80, v3, vm0, $0xb8;
	[tilespmem:$0xCC80] =	vst v63  }
0x6f: {  	_ = 	snop  }
0x70: {  	[tilespmem:s18], [sflag:$0x1] =	stream.indirect_vreg.gather [hbm4b:s5+s2], $0x80, v3, vm1, $0xb8;
	[tilespmem:$0xCC80] =	vst v63  }
0x71: {  	v3 =	vld [tilespmem:s7+$0x10];
	_ =	sdelay $0x4  }
0x72: {  	v61 =	vshrl.u32 v3, $0x3  }
0x73: {  	v4 =	vmul.u32 $0x18, v61  }
0x74: {  	v3 =	vand.u32 $0x7, v3  }
0x75: {  	v3 =	vor.u32 v3, v4  }
0x76: {  	v4 =	vperm.xlane v3, v0;
	_ =	sdelay $0x1  }
0x77: {  	v4 =	vadd.s32 v1, v4;
	_ =	sdelay $0x1  }
0x78: {  	v3 =	vperm.xlane v3, v2;
	_ =	sdelay $0x1  }
0x79: {  	v3 =	vadd.s32 v1, v3  }
0x7a: {  	[tilespmem:s19], [sflag:$0x1] =	stream.indirect_vreg.gather [hbm4b:s3+s2], $0x80, v4, vm0, $0xb8;
	[tilespmem:$0xCC80] =	vst v63  }
0x7b: {  	_ = 	snop  }
0x7c: {  	[tilespmem:s20], [sflag:$0x1] =	stream.indirect_vreg.gather [hbm4b:s5+s2], $0x80, v4, vm1, $0xb8;
	[tilespmem:$0xCC80] =	vst v63  }
0x7d: {  	_ = 	snop  }
0x7e: {  	[tilespmem:s21], [sflag:$0x1] =	stream.indirect_vreg.gather [hbm4b:s3+s2], $0x80, v3, vm0, $0xb8;
	[tilespmem:$0xCC80] =	vst v63  }
0x7f: {  	_ = 	snop  }
0x80: {  	[tilespmem:s22], [sflag:$0x1] =	stream.indirect_vreg.gather [hbm4b:s5+s2], $0x80, v3, vm1, $0xb8;
	[tilespmem:$0xCC80] =	vst v63  }
0x81: {  	v3 =	vld [tilespmem:s7+$0x20];
	_ =	sdelay $0x4  }
0x82: {  	v62 =	vshrl.u32 v3, $0x3  }
0x83: {  	v4 =	vmul.u32 $0x18, v62  }
0x84: {  	v3 =	vand.u32 $0x7, v3  }
0x85: {  	v3 =	vor.u32 v3, v4  }
0x86: {  	v4 =	vperm.xlane v3, v0;
	_ =	sdelay $0x1  }
0x87: {  	v4 =	vadd.s32 v1, v4;
	_ =	sdelay $0x1  }
0x88: {  	v3 =	vperm.xlane v3, v2;
	_ =	sdelay $0x1  }
0x89: {  	v3 =	vadd.s32 v1, v3  }
0x8a: {  	[tilespmem:s23], [sflag:$0x1] =	stream.indirect_vreg.gather [hbm4b:s3+s2], $0x80, v4, vm0, $0xb8;
	[tilespmem:$0xCC80] =	vst v63  }
0x8b: {  	_ = 	snop  }
0x8c: {  	[tilespmem:s24], [sflag:$0x1] =	stream.indirect_vreg.gather [hbm4b:s5+s2], $0x80, v4, vm1, $0xb8;
	[tilespmem:$0xCC80] =	vst v63  }
0x8d: {  	_ = 	snop  }
0x8e: {  	[tilespmem:s25], [sflag:$0x1] =	stream.indirect_vreg.gather [hbm4b:s3+s2], $0x80, v3, vm0, $0xb8;
	[tilespmem:$0xCC80] =	vst v63  }
0x8f: {  	_ = 	snop  }
0x90: {  	[tilespmem:s26], [sflag:$0x1] =	stream.indirect_vreg.gather [hbm4b:s5+s2], $0x80, v3, vm1, $0xb8;
	[tilespmem:$0xCC80] =	vst v63  }
0x91: {  	v3 =	vld [tilespmem:s7+$0x30];
	_ =	sdelay $0x4  }
0x92: {  	v63 =	vshrl.u32 v3, $0x3  }
0x93: {  	v4 =	vmul.u32 $0x18, v63  }
0x94: {  	v3 =	vand.u32 $0x7, v3  }
0x95: {  	v3 =	vor.u32 v3, v4  }
0x96: {  	v4 =	vperm.xlane v3, v0;
	_ =	sdelay $0x1  }
0x97: {  	v4 =	vadd.s32 v1, v4;
	_ =	sdelay $0x1  }
0x98: {  	v3 =	vperm.xlane v3, v2;
	_ =	sdelay $0x1  }
0x99: {  	v3 =	vadd.s32 v1, v3  }
0x9a: {  	[tilespmem:s28], [sflag:$0x1] =	stream.indirect_vreg.gather [hbm4b:s3+s2], $0x80, v4, vm0, $0xb8;
	[tilespmem:$0xCC80] =	vst v63  }
0x9b: {  	_ = 	snop  }
0x9c: {  	[tilespmem:s29], [sflag:$0x1] =	stream.indirect_vreg.gather [hbm4b:s5+s2], $0x80, v4, vm1, $0xb8;
	[tilespmem:$0xCC80] =	vst v63  }
0x9d: {  	_ = 	snop  }
0x9e: {  	[tilespmem:s30], [sflag:$0x1] =	stream.indirect_vreg.gather [hbm4b:s3+s2], $0x80, v3, vm0, $0xb8;
	[tilespmem:$0xCC80] =	vst v63  }
0x9f: {  	_ = 	snop  }
0xa0: {  	[tilespmem:s31], [sflag:$0x1] =	stream.indirect_vreg.gather [hbm4b:s5+s2], $0x80, v3, vm1, $0xb8;
	[tilespmem:$0xCC80] =	vst v63  }
0xa1: {  	_ =	swait.ge [sflag:s1], $0xC000  }
0xa2: {  	p0 =	sne.s32 s8, $0x24000;
	s6 =	rddreg [dreg:$0x2];
	[sflag:s1] =	ssyncset.done $0x0  }
.Ltmp0:
0xa3: {  	[sflag:s1] =	ssyncadd.s32 $0xFFFF4000;
	s4 =	sadd.s32 s8, s6;
	(pc) =	sbr.rel @p0 .LBB2_2-.Ltmp0, $4  }
0xa4: {  	[hbm4b:s4+s2] =	stream.linear.scatter [tilespmem:s10], [sflag:$0x2], $0xC000, $0x38;
	[tilespmem:$0xCC80] =	vst v63  }
0xa5: {  	_ =	swait.ge [sflag:s9], $0xC000  }
0xa6: {  	[sflag:s9] =	ssyncset.done $0x0  }
0xa7: {  	s7 =	sadd.s32 $0x80, s7;
	s8 =	sadd.s32 $0x1800, s8;
	[sflag:s9] =	ssyncadd.s32 $0xFFFF4000  }
0xa8: {  	s0 =	sadd.s32 $0x1, s0;
	s4 =	rddreg [dreg:$0xf]  }
0xa9: {  	p0 =	sne.s32 s0, s4  }
.Ltmp1:
0xaa: {  	_ = 	snop;
	(pc) =	sbr.rel @p0 .LBB2_1-.Ltmp1, $1  }
0xab: {  	_ =	sdelay $0x3  }
0xac: {  	_ =	sfence.sel $0x180000  }
0xad: {  	[bflag:$0x0] =	sbarrier.arrive $0xFFFF  }
0xae: {  	_ =	strace $0x90000050  }
0xaf: {  	s0 =	stileid.u32;
	[bflag:$0x2] =	sbarrier.arrive $0xFFFF  }
0xb0: {  	p0 =	sne.s32 s0, $0x0;
	s0 =	rddreg [dreg:$0x1]  }
0xb1: {  	s0 =	sadd.s32 @!p0 $0x100000, s0  }
0xb2: {  	[sflag:s0] =	ssyncadd.tile.s32 @!p0 $0x1;
	_ =	shalt  }
.Lfunc_end2:
_tile_overlayer_lowered:
.L_overlay_start_2:
0xb3: {  	(tag) =	ssettag $0x2  }
0xb4: {  	s0 =	rddreg [dreg:$0x0];
	s2 =	stileid.u32  }
0xb5: {  	s1 =	rddreg [dreg:$0x1];
	p0 =	sne.s32 s2, $0x0  }
0xb6: {  	s3 =	rddreg [dreg:$0x2];
	[bflag:$0x3] =	sbarrier.arrive $0xFFFF;
	s2 =	simm.s32 @!p0 $0x1C02  }
0xb7: {  	[timem:s3], [sflag:s2] =	dma.local @!p0 [hbm:s0], s1  }
0xb8: {  	s0 =	simm.s32 @!p0 $0x2  }
0xb9: {  	_ =	swait.ge @!p0 [sflag:s0], s1  }
0xba: {  	s1 =	ssub.s32 @!p0 $0x0, s1;
	[sflag:s0] =	ssyncset.done @!p0 $0x0  }
0xbb: {  	[sflag:s0] =	ssyncadd.s32 @!p0 s1  }
0xbc: {  	[bflag:$0x3] =	sbarrier.arrive $0xFFFF  }
0xbd: {  	_ =	shalt  }

</sc_bundles>
